<compile_context>
chip_gen: v7x
topology: tpu7x:2x2x1
jax: 0.10.2.dev20260603
libtpu: 0.0.44.dev20260713+nightly
codegen_flags: <defaults>
</compile_context>

<pallas_src>
import functools

import jax
import jax.numpy as jnp
from jax import lax
from jax.experimental import pallas as pl
from jax.experimental.pallas import tpu as pltpu
from jax.experimental.pallas import tpu_sc as plsc

_N_GLYPHS = 5991
_ENT_ROWS = 908
_GRP_ROWS = 14
_COMB_ROWS = _ENT_ROWS + _GRP_ROWS
_ENT_DIM = 102
_DIM = 128

_TBL_ROWS = 6144
_FUSE_BLK = 512
_FUSE_GRID = _TBL_ROWS // _FUSE_BLK

_B = 4096 * 200

_NC = 2
_NS = 16
_NW = _NC * _NS
_BPW = _B // _NW
_CHUNK = 128
_NCHUNK = _BPW // _CHUNK
_NBUF = 4

_PRELOAD = _TBL_ROWS // _NS


def _fuse_body(lookup_ref, comb_ref, out_ref):
    comb = comb_ref[...]
    norm = jnp.sqrt(jnp.sum(comb * comb, axis=1, keepdims=True))
    scale = jnp.where(norm > 1.0, 1.0 / (norm + 1e-7), 1.0)
    comb_s = comb * scale

    pair = lookup_ref[...]
    grp = pair[:, 0:1]
    ent = pair[:, 1:2]
    k_iota = lax.broadcasted_iota(jnp.int32, (_FUSE_BLK, _COMB_ROWS), 1)
    onehot = (k_iota == ent).astype(jnp.float32) + (
        k_iota == grp + _ENT_ROWS
    ).astype(jnp.float32)
    out_ref[...] = jnp.dot(onehot, comb_s, preferred_element_type=jnp.float32)


_fuse_call = pl.pallas_call(
    _fuse_body,
    grid=(_FUSE_GRID,),
    in_specs=[
        pl.BlockSpec((_FUSE_BLK, 2), lambda i: (i, 0)),
        pl.BlockSpec((_COMB_ROWS, _DIM), lambda i: (0, 0)),
    ],
    out_specs=pl.BlockSpec((_FUSE_BLK, _DIM), lambda i: (i, 0)),
    out_shape=jax.ShapeDtypeStruct((_TBL_ROWS, _DIM), jnp.float32),
)


@functools.lru_cache(maxsize=1)
def _make_gather_kernel():
    @functools.partial(
        pl.kernel,
        mesh=plsc.VectorSubcoreMesh(core_axis_name="c", subcore_axis_name="s"),
        out_type=jax.ShapeDtypeStruct((_B, _DIM), jnp.float32),
        scratch_types=[
            pltpu.VMEM((_NBUF, _CHUNK), jnp.int32),
            pltpu.VMEM((_NBUF, _CHUNK, _DIM), jnp.float32),
            pltpu.SemaphoreType.DMA((_NBUF,)),
            pltpu.SemaphoreType.DMA((_NBUF,)),
            pltpu.SemaphoreType.DMA((_NBUF,)),
            pltpu.VMEM_SHARED((_TBL_ROWS, _DIM), jnp.float32),
        ],
    )
    def _gather_kernel(
        glyphs_hbm, fused_hbm, out_hbm, idx_v, rows_v, gs, ws, isem, table_sp
    ):
        wid = lax.axis_index("s") * _NC + lax.axis_index("c")
        sid = lax.axis_index("s")
        base = wid * _BPW

        pltpu.sync_copy(
            fused_hbm.at[pl.ds(sid * _PRELOAD, _PRELOAD)],
            table_sp.at[pl.ds(sid * _PRELOAD, _PRELOAD)],
        )
        plsc.subcore_barrier()

        def idx_load(chunk, buf):
            return pltpu.make_async_copy(
                glyphs_hbm.at[pl.ds(base + chunk * _CHUNK, _CHUNK)],
                idx_v.at[buf],
                isem.at[buf],
            )

        def gather(chunk, buf):
            return pltpu.make_async_copy(
                table_sp.at[idx_v.at[buf]],
                rows_v.at[buf],
                gs.at[buf],
            )

        def write(chunk, buf):
            return pltpu.make_async_copy(
                rows_v.at[buf],
                out_hbm.at[pl.ds(base + chunk * _CHUNK, _CHUNK)],
                ws.at[buf],
            )

        for j in range(_NBUF):
            idx_load(j, j).start()
        idx_load(0, 0).wait()
        gather(0, 0).start()
        idx_load(1, 1).wait()
        gather(1, 1).start()

        def step(k, j):
            gather(k, j).wait()
            write(k, j).start()
            pl.when(k + _NBUF < _NCHUNK)(lambda: idx_load(k + _NBUF, j).start())
            j2 = (j + 2) % _NBUF

            def refill():
                idx_load(k + 2, j2).wait()
                gather(k + 2, j2).start()

            pl.when(k >= 2)(lambda: write(k - 2, j2).wait())
            pl.when(k + 2 < _NCHUNK)(refill)

        def body(i, carry):
            k = i * _NBUF
            for j in range(_NBUF):
                step(k + j, j)
            return carry

        lax.fori_loop(0, _NCHUNK // _NBUF, body, 0)
        write(_NCHUNK - 2, (_NCHUNK - 2) % _NBUF).wait()
        write(_NCHUNK - 1, (_NCHUNK - 1) % _NBUF).wait()

    return _gather_kernel


def kernel(glyphs, gl_lookup, entity_table, group_table):
    ent_pad = jnp.pad(entity_table, ((0, 0), (0, _DIM - _ENT_DIM)))
    grp_pad = jnp.pad(group_table, ((0, 0), (_ENT_DIM, 0)))
    comb = jnp.concatenate([ent_pad, grp_pad], axis=0)

    fused = _fuse_call(gl_lookup, comb)
    flat = glyphs.reshape(-1)
    out = _make_gather_kernel()(flat, fused)
    return out.reshape(glyphs.shape + (_DIM,))

# --- scband reference (transcript-rebuilt; emitter-appended) ---
"""Pipeline reference for scband-legacy-glyph-embedding-5849745457242 (READ-ONLY COPY).

The authoritative reference and input builder live on the scoring server;
editing this copy changes nothing except your own understanding.
"""

import jax, jax.numpy as jnp
import numpy as np

NUM_GLYPHS = 5991
MAX_ENTITY = 907
MAX_GROUP = 13
EMBEDDING_DIM = 128
ENTITY_DIM = int(4 * EMBEDDING_DIM // 5)  # 102
GROUP_DIM = EMBEDDING_DIM - ENTITY_DIM    # 26


def _renorm_lookup(table, idx, max_norm=1.0, eps=1e-7):
    # Faithful to torch.nn.Embedding(max_norm=1.0, norm_type=2.0):
    # looked-up rows with L2 norm > max_norm are rescaled to max_norm.
    rows = jnp.take(table, idx, axis=0)
    norms = jnp.linalg.norm(rows, ord=2, axis=-1, keepdims=True)
    scale = jnp.where(norms > max_norm, max_norm / (norms + eps), 1.0)
    return rows * scale


def setup_inputs(seed: int = 0) -> dict:
    key = jax.random.key(seed)
    k1, k2, k3, k4, k5 = jax.random.split(key, 5)
    glyphs = jax.random.randint(k1, (4096, 200), 0, NUM_GLYPHS, dtype=jnp.int32)
    # gl_lookup buffer: glyph -> (group, entity). Keep indices strictly below the
    # padding rows (MAX_GROUP / MAX_ENTITY) so padding is never gathered.
    gl_group = jax.random.randint(k2, (NUM_GLYPHS,), 0, MAX_GROUP, dtype=jnp.int32)
    gl_entity = jax.random.randint(k3, (NUM_GLYPHS,), 0, MAX_ENTITY, dtype=jnp.int32)
    gl_lookup = jnp.stack([gl_group, gl_entity], axis=-1)
    entity_table = jax.random.normal(k4, (MAX_ENTITY + 1, ENTITY_DIM), dtype=jnp.float32)
    entity_table = entity_table.at[MAX_ENTITY].set(0.0)  # padding_idx row
    group_table = jax.random.normal(k5, (MAX_GROUP + 1, GROUP_DIM), dtype=jnp.float32)
    group_table = group_table.at[MAX_GROUP].set(0.0)  # padding_idx row
    return {
        "glyphs": glyphs,
        "gl_lookup": gl_lookup,
        "entity_table": entity_table,
        "group_table": group_table,
    }


def reference(glyphs, gl_lookup, entity_table, group_table):
    pair = jnp.take(gl_lookup, glyphs, axis=0)  # [..., 2]
    grp = pair[..., 0]
    ent = pair[..., 1]
    ent_emb = _renorm_lookup(entity_table, ent, max_norm=1.0)
    grp_emb = _renorm_lookup(group_table, grp, max_norm=1.0)
    return jnp.concatenate([ent_emb, grp_emb], axis=-1)

if __name__ == "__main__":
    import jax
    _d = setup_inputs()
    print(jax.jit(kernel)(*tuple(_d.values())))

</pallas_src>

<mosaic_0001>
#map = affine_map<(d0, d1) -> (0)>
#map1 = affine_map<(d0, d1) -> (0, 0)>
module attributes {stable_mosaic.version = 14 : i64} {
  func.func @_gather_kernel(%arg0: i32, %arg1: i32, %arg2: memref<819200xi32, #tpu.memory_space<hbm>>, %arg3: memref<6144x128xf32, #tpu.memory_space<hbm>>, %arg4: memref<819200x128xf32, #tpu.memory_space<hbm>>, %arg5: memref<4x128xi32, #tpu.memory_space<vmem>>, %arg6: memref<4x128x128xf32, #tpu.memory_space<vmem>>, %arg7: memref<4x!tpu.dma_semaphore, #tpu.memory_space<semaphore_mem>>, %arg8: memref<4x!tpu.dma_semaphore, #tpu.memory_space<semaphore_mem>>, %arg9: memref<4x!tpu.dma_semaphore, #tpu.memory_space<semaphore_mem>>, %arg10: memref<6144x128xf32, #tpu.memory_space<vmem_shared>>) attributes {dimension_semantics = [#tpu.dimension_semantics<core_parallel>, #tpu.dimension_semantics<subcore_parallel>], iteration_bounds = array<i64: 2, 16>, scalar_prefetch = 0 : i64, scratch_operands = 6 : i64, tpu.core_type = #tpu.core_type<sc_vector_subcore>, window_params = [{transform_indices = #map}, {transform_indices = #map1}, {transform_indices = #map1}]} {
    %mul3A = arith.constant 2 : i32
    %mul3A_0 = arith.muli %arg1, %mul3A : i32
    %add3A = arith.addi %mul3A_0, %arg0 : i32
    %mul3A_1 = arith.constant 25600 : i32
    %mul3A_2 = arith.muli %add3A, %mul3A_1 : i32
    %mul3A_3 = arith.constant 384 : i32
    %mul3A_4 = arith.muli %arg1, %mul3A_3 : i32
    %mul3A_5 = arith.constant 384 : i32
    %mul3A_6 = arith.muli %arg1, %mul3A_5 : i32
    "tpu.region"() ({
      %run_scoped3A = tpu.sem_alloc : memref<!tpu.dma_semaphore, #tpu.memory_space<semaphore_mem>>
      %dma_start3A_160 = arith.constant 0 : i32
      %dma_start3A_161 = tpu.memref_slice %arg10[%mul3A_6, %dma_start3A_160] : memref<6144x128xf32, #tpu.memory_space<vmem_shared>> -> memref<384x128xf32, #tpu.memory_space<vmem_shared>>
      %dma_start3A_162 = arith.constant 0 : i32
      %dma_start3A_163 = tpu.memref_slice %arg3[%mul3A_4, %dma_start3A_162] : memref<6144x128xf32, #tpu.memory_space<hbm>> -> memref<384x128xf32, #tpu.memory_space<hbm>>
      tpu.enqueue_dma source(%dma_start3A_163 : memref<384x128xf32, #tpu.memory_space<hbm>>) target(%dma_start3A_161 : memref<384x128xf32, #tpu.memory_space<vmem_shared>>) target_semaphore(%run_scoped3A : memref<!tpu.dma_semaphore, #tpu.memory_space<semaphore_mem>>)
      %dma_wait3A_164 = arith.constant 0 : i32
      %dma_wait3A_165 = tpu.memref_slice %arg10[%mul3A_6, %dma_wait3A_164] : memref<6144x128xf32, #tpu.memory_space<vmem_shared>> -> memref<384x128xf32, #tpu.memory_space<vmem_shared>>
      %dma_wait3A_166 = arith.constant 0 : i32
      %dma_wait3A_167 = tpu.memref_slice %arg3[%mul3A_4, %dma_wait3A_166] : memref<6144x128xf32, #tpu.memory_space<hbm>> -> memref<384x128xf32, #tpu.memory_space<hbm>>
      tpu.wait_dma2 semaphore(%run_scoped3A : memref<!tpu.dma_semaphore, #tpu.memory_space<semaphore_mem>>) src(%dma_wait3A_167 : memref<384x128xf32, #tpu.memory_space<hbm>>) dst(%dma_wait3A_165 : memref<384x128xf32, #tpu.memory_space<vmem_shared>>)
      tpu.yield
    }) : () -> ()
    %barrier3A = arith.constant 0 : index
    tpu.barrier barrier_id(%barrier3A)
    %add3A_7 = arith.constant 0 : i32
    %add3A_8 = arith.addi %mul3A_2, %add3A_7 : i32
    %dma_start3A = arith.constant 0 : i32
    %dma_start3A_9 = arith.constant 0 : i32
    %dma_start3A_10 = arith.constant 0 : i32
    %dma_start3A_11 = tpu.memref_slice %arg5[%dma_start3A, %dma_start3A_10] : memref<4x128xi32, #tpu.memory_space<vmem>> -> memref<1x128xi32, #tpu.memory_space<vmem>>
    %dma_start3A_12 = tpu.memref_squeeze %dma_start3A_11 : memref<1x128xi32, #tpu.memory_space<vmem>> -> memref<128xi32, #tpu.memory_space<vmem>>
    %dma_start3A_13 = tpu.memref_slice %arg2[%add3A_8] : memref<819200xi32, #tpu.memory_space<hbm>> -> memref<128xi32, #tpu.memory_space<hbm>>
    %dma_start3A_14 = tpu.memref_slice %arg9[%dma_start3A_9] : memref<4x!tpu.dma_semaphore, #tpu.memory_space<semaphore_mem>> -> memref<1x!tpu.dma_semaphore, #tpu.memory_space<semaphore_mem>>
    %dma_start3A_15 = tpu.memref_squeeze %dma_start3A_14 : memref<1x!tpu.dma_semaphore, #tpu.memory_space<semaphore_mem>> -> memref<!tpu.dma_semaphore, #tpu.memory_space<semaphore_mem>>
    %dma_start3A_16 = arith.constant 0 : i32
    %dma_start3A_17 = tpu.memref_slice %arg5[%dma_start3A, %dma_start3A_16] : memref<4x128xi32, #tpu.memory_space<vmem>> -> memref<1x128xi32, #tpu.memory_space<vmem>>
    %dma_start3A_18 = tpu.memref_squeeze %dma_start3A_17 : memref<1x128xi32, #tpu.memory_space<vmem>> -> memref<128xi32, #tpu.memory_space<vmem>>
    %dma_start3A_19 = tpu.memref_slice %arg2[%add3A_8] : memref<819200xi32, #tpu.memory_space<hbm>> -> memref<128xi32, #tpu.memory_space<hbm>>
    tpu.enqueue_dma source(%dma_start3A_19 : memref<128xi32, #tpu.memory_space<hbm>>) target(%dma_start3A_18 : memref<128xi32, #tpu.memory_space<vmem>>) target_semaphore(%dma_start3A_15 : memref<!tpu.dma_semaphore, #tpu.memory_space<semaphore_mem>>)
    %add3A_20 = arith.constant 128 : i32
    %add3A_21 = arith.addi %mul3A_2, %add3A_20 : i32
    %dma_start3A_22 = arith.constant 1 : i32
    %dma_start3A_23 = arith.constant 1 : i32
    %dma_start3A_24 = arith.constant 0 : i32
    %dma_start3A_25 = tpu.memref_slice %arg5[%dma_start3A_22, %dma_start3A_24] : memref<4x128xi32, #tpu.memory_space<vmem>> -> memref<1x128xi32, #tpu.memory_space<vmem>>
    %dma_start3A_26 = tpu.memref_squeeze %dma_start3A_25 : memref<1x128xi32, #tpu.memory_space<vmem>> -> memref<128xi32, #tpu.memory_space<vmem>>
    %dma_start3A_27 = tpu.memref_slice %arg2[%add3A_21] : memref<819200xi32, #tpu.memory_space<hbm>> -> memref<128xi32, #tpu.memory_space<hbm>>
    %dma_start3A_28 = tpu.memref_slice %arg9[%dma_start3A_23] : memref<4x!tpu.dma_semaphore, #tpu.memory_space<semaphore_mem>> -> memref<1x!tpu.dma_semaphore, #tpu.memory_space<semaphore_mem>>
    %dma_start3A_29 = tpu.memref_squeeze %dma_start3A_28 : memref<1x!tpu.dma_semaphore, #tpu.memory_space<semaphore_mem>> -> memref<!tpu.dma_semaphore, #tpu.memory_space<semaphore_mem>>
    %dma_start3A_30 = arith.constant 0 : i32
    %dma_start3A_31 = tpu.memref_slice %arg5[%dma_start3A_22, %dma_start3A_30] : memref<4x128xi32, #tpu.memory_space<vmem>> -> memref<1x128xi32, #tpu.memory_space<vmem>>
    %dma_start3A_32 = tpu.memref_squeeze %dma_start3A_31 : memref<1x128xi32, #tpu.memory_space<vmem>> -> memref<128xi32, #tpu.memory_space<vmem>>
    %dma_start3A_33 = tpu.memref_slice %arg2[%add3A_21] : memref<819200xi32, #tpu.memory_space<hbm>> -> memref<128xi32, #tpu.memory_space<hbm>>
    tpu.enqueue_dma source(%dma_start3A_33 : memref<128xi32, #tpu.memory_space<hbm>>) target(%dma_start3A_32 : memref<128xi32, #tpu.memory_space<vmem>>) target_semaphore(%dma_start3A_29 : memref<!tpu.dma_semaphore, #tpu.memory_space<semaphore_mem>>)
    %add3A_34 = arith.constant 256 : i32
    %add3A_35 = arith.addi %mul3A_2, %add3A_34 : i32
    %dma_start3A_36 = arith.constant 2 : i32
    %dma_start3A_37 = arith.constant 2 : i32
    %dma_start3A_38 = arith.constant 0 : i32
    %dma_start3A_39 = tpu.memref_slice %arg5[%dma_start3A_36, %dma_start3A_38] : memref<4x128xi32, #tpu.memory_space<vmem>> -> memref<1x128xi32, #tpu.memory_space<vmem>>
    %dma_start3A_40 = tpu.memref_squeeze %dma_start3A_39 : memref<1x128xi32, #tpu.memory_space<vmem>> -> memref<128xi32, #tpu.memory_space<vmem>>
    %dma_start3A_41 = tpu.memref_slice %arg2[%add3A_35] : memref<819200xi32, #tpu.memory_space<hbm>> -> memref<128xi32, #tpu.memory_space<hbm>>
    %dma_start3A_42 = tpu.memref_slice %arg9[%dma_start3A_37] : memref<4x!tpu.dma_semaphore, #tpu.memory_space<semaphore_mem>> -> memref<1x!tpu.dma_semaphore, #tpu.memory_space<semaphore_mem>>
    %dma_start3A_43 = tpu.memref_squeeze %dma_start3A_42 : memref<1x!tpu.dma_semaphore, #tpu.memory_space<semaphore_mem>> -> memref<!tpu.dma_semaphore, #tpu.memory_space<semaphore_mem>>
    %dma_start3A_44 = arith.constant 0 : i32
    %dma_start3A_45 = tpu.memref_slice %arg5[%dma_start3A_36, %dma_start3A_44] : memref<4x128xi32, #tpu.memory_space<vmem>> -> memref<1x128xi32, #tpu.memory_space<vmem>>
    %dma_start3A_46 = tpu.memref_squeeze %dma_start3A_45 : memref<1x128xi32, #tpu.memory_space<vmem>> -> memref<128xi32, #tpu.memory_space<vmem>>
    %dma_start3A_47 = tpu.memref_slice %arg2[%add3A_35] : memref<819200xi32, #tpu.memory_space<hbm>> -> memref<128xi32, #tpu.memory_space<hbm>>
    tpu.enqueue_dma source(%dma_start3A_47 : memref<128xi32, #tpu.memory_space<hbm>>) target(%dma_start3A_46 : memref<128xi32, #tpu.memory_space<vmem>>) target_semaphore(%dma_start3A_43 : memref<!tpu.dma_semaphore, #tpu.memory_space<semaphore_mem>>)
    %add3A_48 = arith.constant 384 : i32
    %add3A_49 = arith.addi %mul3A_2, %add3A_48 : i32
    %dma_start3A_50 = arith.constant 3 : i32
    %dma_start3A_51 = arith.constant 3 : i32
    %dma_start3A_52 = arith.constant 0 : i32
    %dma_start3A_53 = tpu.memref_slice %arg5[%dma_start3A_50, %dma_start3A_52] : memref<4x128xi32, #tpu.memory_space<vmem>> -> memref<1x128xi32, #tpu.memory_space<vmem>>
    %dma_start3A_54 = tpu.memref_squeeze %dma_start3A_53 : memref<1x128xi32, #tpu.memory_space<vmem>> -> memref<128xi32, #tpu.memory_space<vmem>>
    %dma_start3A_55 = tpu.memref_slice %arg2[%add3A_49] : memref<819200xi32, #tpu.memory_space<hbm>> -> memref<128xi32, #tpu.memory_space<hbm>>
    %dma_start3A_56 = tpu.memref_slice %arg9[%dma_start3A_51] : memref<4x!tpu.dma_semaphore, #tpu.memory_space<semaphore_mem>> -> memref<1x!tpu.dma_semaphore, #tpu.memory_space<semaphore_mem>>
    %dma_start3A_57 = tpu.memref_squeeze %dma_start3A_56 : memref<1x!tpu.dma_semaphore, #tpu.memory_space<semaphore_mem>> -> memref<!tpu.dma_semaphore, #tpu.memory_space<semaphore_mem>>
    %dma_start3A_58 = arith.constant 0 : i32
    %dma_start3A_59 = tpu.memref_slice %arg5[%dma_start3A_50, %dma_start3A_58] : memref<4x128xi32, #tpu.memory_space<vmem>> -> memref<1x128xi32, #tpu.memory_space<vmem>>
    %dma_start3A_60 = tpu.memref_squeeze %dma_start3A_59 : memref<1x128xi32, #tpu.memory_space<vmem>> -> memref<128xi32, #tpu.memory_space<vmem>>
    %dma_start3A_61 = tpu.memref_slice %arg2[%add3A_49] : memref<819200xi32, #tpu.memory_space<hbm>> -> memref<128xi32, #tpu.memory_space<hbm>>
    tpu.enqueue_dma source(%dma_start3A_61 : memref<128xi32, #tpu.memory_space<hbm>>) target(%dma_start3A_60 : memref<128xi32, #tpu.memory_space<vmem>>) target_semaphore(%dma_start3A_57 : memref<!tpu.dma_semaphore, #tpu.memory_space<semaphore_mem>>)
    %add3A_62 = arith.constant 0 : i32
    %add3A_63 = arith.addi %mul3A_2, %add3A_62 : i32
    %dma_wait3A = arith.constant 0 : i32
    %dma_wait3A_64 = arith.constant 0 : i32
    %dma_wait3A_65 = arith.constant 0 : i32
    %dma_wait3A_66 = tpu.memref_slice %arg5[%dma_wait3A, %dma_wait3A_65] : memref<4x128xi32, #tpu.memory_space<vmem>> -> memref<1x128xi32, #tpu.memory_space<vmem>>
    %dma_wait3A_67 = tpu.memref_squeeze %dma_wait3A_66 : memref<1x128xi32, #tpu.memory_space<vmem>> -> memref<128xi32, #tpu.memory_space<vmem>>
    %dma_wait3A_68 = tpu.memref_slice %arg2[%add3A_63] : memref<819200xi32, #tpu.memory_space<hbm>> -> memref<128xi32, #tpu.memory_space<hbm>>
    %dma_wait3A_69 = tpu.memref_slice %arg9[%dma_wait3A_64] : memref<4x!tpu.dma_semaphore, #tpu.memory_space<semaphore_mem>> -> memref<1x!tpu.dma_semaphore, #tpu.memory_space<semaphore_mem>>
    %dma_wait3A_70 = tpu.memref_squeeze %dma_wait3A_69 : memref<1x!tpu.dma_semaphore, #tpu.memory_space<semaphore_mem>> -> memref<!tpu.dma_semaphore, #tpu.memory_space<semaphore_mem>>
    %dma_wait3A_71 = arith.constant 0 : i32
    %dma_wait3A_72 = tpu.memref_slice %arg5[%dma_wait3A, %dma_wait3A_71] : memref<4x128xi32, #tpu.memory_space<vmem>> -> memref<1x128xi32, #tpu.memory_space<vmem>>
    %dma_wait3A_73 = tpu.memref_squeeze %dma_wait3A_72 : memref<1x128xi32, #tpu.memory_space<vmem>> -> memref<128xi32, #tpu.memory_space<vmem>>
    %dma_wait3A_74 = tpu.memref_slice %arg2[%add3A_63] : memref<819200xi32, #tpu.memory_space<hbm>> -> memref<128xi32, #tpu.memory_space<hbm>>
    tpu.wait_dma2 semaphore(%dma_wait3A_70 : memref<!tpu.dma_semaphore, #tpu.memory_space<semaphore_mem>>) src(%dma_wait3A_74 : memref<128xi32, #tpu.memory_space<hbm>>) dst(%dma_wait3A_73 : memref<128xi32, #tpu.memory_space<vmem>>)
    %dma_start3A_75 = arith.constant 0 : i32
    %dma_start3A_76 = arith.constant 0 : i32
    %dma_start3A_77 = arith.constant 0 : i32
    %dma_start3A_78 = arith.constant 0 : i32
    %dma_start3A_79 = arith.constant 0 : i32
    %dma_start3A_80 = tpu.memref_slice %arg6[%dma_start3A_76, %dma_start3A_78, %dma_start3A_79] : memref<4x128x128xf32, #tpu.memory_space<vmem>> -> memref<1x128x128xf32, #tpu.memory_space<vmem>>
    %dma_start3A_81 = tpu.memref_squeeze %dma_start3A_80 : memref<1x128x128xf32, #tpu.memory_space<vmem>> -> memref<128x128xf32, #tpu.memory_space<vmem>>
    %dma_start3A_82 = arith.constant 0 : i32
    %dma_start3A_83 = tpu.memref_slice %arg5[%dma_start3A_75, %dma_start3A_82] : memref<4x128xi32, #tpu.memory_space<vmem>> -> memref<1x128xi32, #tpu.memory_space<vmem>>
    %dma_start3A_84 = tpu.memref_squeeze %dma_start3A_83 : memref<1x128xi32, #tpu.memory_space<vmem>> -> memref<128xi32, #tpu.memory_space<vmem>>
    %dma_start3A_85 = arith.constant 0 : i32
    %dma_start3A_86 = arith.constant 0 : i32
    %dma_start3A_87 = tpu.memref_slice %arg10[%dma_start3A_85, %dma_start3A_86] : memref<6144x128xf32, #tpu.memory_space<vmem_shared>> -> memref<6144x128xf32, #tpu.memory_space<vmem_shared>>
    %dma_start3A_88 = tpu.memref_slice %arg7[%dma_start3A_77] : memref<4x!tpu.dma_semaphore, #tpu.memory_space<semaphore_mem>> -> memref<1x!tpu.dma_semaphore, #tpu.memory_space<semaphore_mem>>
    %dma_start3A_89 = tpu.memref_squeeze %dma_start3A_88 : memref<1x!tpu.dma_semaphore, #tpu.memory_space<semaphore_mem>> -> memref<!tpu.dma_semaphore, #tpu.memory_space<semaphore_mem>>
    tpu.enqueue_indirect_dma source(%dma_start3A_87 : memref<6144x128xf32, #tpu.memory_space<vmem_shared>>) target(%dma_start3A_81 : memref<128x128xf32, #tpu.memory_space<vmem>>) offsets(%dma_start3A_84 : memref<128xi32, #tpu.memory_space<vmem>>) semaphore(%dma_start3A_89 : memref<!tpu.dma_semaphore, #tpu.memory_space<semaphore_mem>>)
    %add3A_90 = arith.constant 128 : i32
    %add3A_91 = arith.addi %mul3A_2, %add3A_90 : i32
    %dma_wait3A_92 = arith.constant 1 : i32
    %dma_wait3A_93 = arith.constant 1 : i32
    %dma_wait3A_94 = arith.constant 0 : i32
    %dma_wait3A_95 = tpu.memref_slice %arg5[%dma_wait3A_92, %dma_wait3A_94] : memref<4x128xi32, #tpu.memory_space<vmem>> -> memref<1x128xi32, #tpu.memory_space<vmem>>
    %dma_wait3A_96 = tpu.memref_squeeze %dma_wait3A_95 : memref<1x128xi32, #tpu.memory_space<vmem>> -> memref<128xi32, #tpu.memory_space<vmem>>
    %dma_wait3A_97 = tpu.memref_slice %arg2[%add3A_91] : memref<819200xi32, #tpu.memory_space<hbm>> -> memref<128xi32, #tpu.memory_space<hbm>>
    %dma_wait3A_98 = tpu.memref_slice %arg9[%dma_wait3A_93] : memref<4x!tpu.dma_semaphore, #tpu.memory_space<semaphore_mem>> -> memref<1x!tpu.dma_semaphore, #tpu.memory_space<semaphore_mem>>
    %dma_wait3A_99 = tpu.memref_squeeze %dma_wait3A_98 : memref<1x!tpu.dma_semaphore, #tpu.memory_space<semaphore_mem>> -> memref<!tpu.dma_semaphore, #tpu.memory_space<semaphore_mem>>
    %dma_wait3A_100 = arith.constant 0 : i32
    %dma_wait3A_101 = tpu.memref_slice %arg5[%dma_wait3A_92, %dma_wait3A_100] : memref<4x128xi32, #tpu.memory_space<vmem>> -> memref<1x128xi32, #tpu.memory_space<vmem>>
    %dma_wait3A_102 = tpu.memref_squeeze %dma_wait3A_101 : memref<1x128xi32, #tpu.memory_space<vmem>> -> memref<128xi32, #tpu.memory_space<vmem>>
    %dma_wait3A_103 = tpu.memref_slice %arg2[%add3A_91] : memref<819200xi32, #tpu.memory_space<hbm>> -> memref<128xi32, #tpu.memory_space<hbm>>
    tpu.wait_dma2 semaphore(%dma_wait3A_99 : memref<!tpu.dma_semaphore, #tpu.memory_space<semaphore_mem>>) src(%dma_wait3A_103 : memref<128xi32, #tpu.memory_space<hbm>>) dst(%dma_wait3A_102 : memref<128xi32, #tpu.memory_space<vmem>>)
    %dma_start3A_104 = arith.constant 1 : i32
    %dma_start3A_105 = arith.constant 1 : i32
    %dma_start3A_106 = arith.constant 1 : i32
    %dma_start3A_107 = arith.constant 0 : i32
    %dma_start3A_108 = arith.constant 0 : i32
    %dma_start3A_109 = tpu.memref_slice %arg6[%dma_start3A_105, %dma_start3A_107, %dma_start3A_108] : memref<4x128x128xf32, #tpu.memory_space<vmem>> -> memref<1x128x128xf32, #tpu.memory_space<vmem>>
    %dma_start3A_110 = tpu.memref_squeeze %dma_start3A_109 : memref<1x128x128xf32, #tpu.memory_space<vmem>> -> memref<128x128xf32, #tpu.memory_space<vmem>>
    %dma_start3A_111 = arith.constant 0 : i32
    %dma_start3A_112 = tpu.memref_slice %arg5[%dma_start3A_104, %dma_start3A_111] : memref<4x128xi32, #tpu.memory_space<vmem>> -> memref<1x128xi32, #tpu.memory_space<vmem>>
    %dma_start3A_113 = tpu.memref_squeeze %dma_start3A_112 : memref<1x128xi32, #tpu.memory_space<vmem>> -> memref<128xi32, #tpu.memory_space<vmem>>
    %dma_start3A_114 = arith.constant 0 : i32
    %dma_start3A_115 = arith.constant 0 : i32
    %dma_start3A_116 = tpu.memref_slice %arg10[%dma_start3A_114, %dma_start3A_115] : memref<6144x128xf32, #tpu.memory_space<vmem_shared>> -> memref<6144x128xf32, #tpu.memory_space<vmem_shared>>
    %dma_start3A_117 = tpu.memref_slice %arg7[%dma_start3A_106] : memref<4x!tpu.dma_semaphore, #tpu.memory_space<semaphore_mem>> -> memref<1x!tpu.dma_semaphore, #tpu.memory_space<semaphore_mem>>
    %dma_start3A_118 = tpu.memref_squeeze %dma_start3A_117 : memref<1x!tpu.dma_semaphore, #tpu.memory_space<semaphore_mem>> -> memref<!tpu.dma_semaphore, #tpu.memory_space<semaphore_mem>>
    tpu.enqueue_indirect_dma source(%dma_start3A_116 : memref<6144x128xf32, #tpu.memory_space<vmem_shared>>) target(%dma_start3A_110 : memref<128x128xf32, #tpu.memory_space<vmem>>) offsets(%dma_start3A_113 : memref<128xi32, #tpu.memory_space<vmem>>) semaphore(%dma_start3A_118 : memref<!tpu.dma_semaphore, #tpu.memory_space<semaphore_mem>>)
    %scan3A = arith.constant 0 : i32
    %scan3A_119 = arith.constant 0 : i32
    %scan3A_120 = arith.constant 50 : i32
    %scan3A_121 = arith.addi %scan3A_119, %scan3A_120 : i32
    %scan3A_122 = arith.constant 1 : i32
    scf.for %scan3A_160 = %scan3A_119 to %scan3A_121 step %scan3A_122  : i32 {
      %mul3A_161 = arith.constant 4 : i32
      %mul3A_162 = arith.muli %scan3A_160, %mul3A_161 : i32
      %add3A_163 = arith.constant 0 : i32
      %add3A_164 = arith.addi %mul3A_162, %add3A_163 : i32
      %dma_wait3A_165 = arith.constant 0 : i32
      %dma_wait3A_166 = arith.constant 0 : i32
      %dma_wait3A_167 = arith.constant 0 : i32
      %dma_wait3A_168 = arith.constant 0 : i32
      %dma_wait3A_169 = arith.constant 0 : i32
      %dma_wait3A_170 = tpu.memref_slice %arg6[%dma_wait3A_166, %dma_wait3A_168, %dma_wait3A_169] : memref<4x128x128xf32, #tpu.memory_space<vmem>> -> memref<1x128x128xf32, #tpu.memory_space<vmem>>
      %dma_wait3A_171 = tpu.memref_squeeze %dma_wait3A_170 : memref<1x128x128xf32, #tpu.memory_space<vmem>> -> memref<128x128xf32, #tpu.memory_space<vmem>>
      %dma_wait3A_172 = arith.constant 0 : i32
      %dma_wait3A_173 = tpu.memref_slice %arg5[%dma_wait3A_165, %dma_wait3A_172] : memref<4x128xi32, #tpu.memory_space<vmem>> -> memref<1x128xi32, #tpu.memory_space<vmem>>
      %dma_wait3A_174 = tpu.memref_squeeze %dma_wait3A_173 : memref<1x128xi32, #tpu.memory_space<vmem>> -> memref<128xi32, #tpu.memory_space<vmem>>
      %dma_wait3A_175 = arith.constant 0 : i32
      %dma_wait3A_176 = arith.constant 0 : i32
      %dma_wait3A_177 = tpu.memref_slice %arg10[%dma_wait3A_175, %dma_wait3A_176] : memref<6144x128xf32, #tpu.memory_space<vmem_shared>> -> memref<6144x128xf32, #tpu.memory_space<vmem_shared>>
      %dma_wait3A_178 = tpu.memref_slice %arg7[%dma_wait3A_167] : memref<4x!tpu.dma_semaphore, #tpu.memory_space<semaphore_mem>> -> memref<1x!tpu.dma_semaphore, #tpu.memory_space<semaphore_mem>>
      %dma_wait3A_179 = tpu.memref_squeeze %dma_wait3A_178 : memref<1x!tpu.dma_semaphore, #tpu.memory_space<semaphore_mem>> -> memref<!tpu.dma_semaphore, #tpu.memory_space<semaphore_mem>>
      tpu.wait_indirect_dma semaphore(%dma_wait3A_179 : memref<!tpu.dma_semaphore, #tpu.memory_space<semaphore_mem>>) src(%dma_wait3A_177 : memref<6144x128xf32, #tpu.memory_space<vmem_shared>>) dst(%dma_wait3A_171 : memref<128x128xf32, #tpu.memory_space<vmem>>)
      %mul3A_180 = arith.constant 128 : i32
      %mul3A_181 = arith.muli %add3A_164, %mul3A_180 : i32
      %add3A_182 = arith.addi %mul3A_2, %mul3A_181 : i32
      %dma_start3A_183 = arith.constant 0 : i32
      %dma_start3A_184 = arith.constant 0 : i32
      %dma_start3A_185 = arith.constant 0 : i32
      %dma_start3A_186 = arith.constant 0 : i32
      %dma_start3A_187 = tpu.memref_slice %arg6[%dma_start3A_183, %dma_start3A_185, %dma_start3A_186] : memref<4x128x128xf32, #tpu.memory_space<vmem>> -> memref<1x128x128xf32, #tpu.memory_space<vmem>>
      %dma_start3A_188 = tpu.memref_squeeze %dma_start3A_187 : memref<1x128x128xf32, #tpu.memory_space<vmem>> -> memref<128x128xf32, #tpu.memory_space<vmem>>
      %dma_start3A_189 = arith.constant 0 : i32
      %dma_start3A_190 = tpu.memref_slice %arg4[%add3A_182, %dma_start3A_189] : memref<819200x128xf32, #tpu.memory_space<hbm>> -> memref<128x128xf32, #tpu.memory_space<hbm>>
      %dma_start3A_191 = tpu.memref_slice %arg8[%dma_start3A_184] : memref<4x!tpu.dma_semaphore, #tpu.memory_space<semaphore_mem>> -> memref<1x!tpu.dma_semaphore, #tpu.memory_space<semaphore_mem>>
      %dma_start3A_192 = tpu.memref_squeeze %dma_start3A_191 : memref<1x!tpu.dma_semaphore, #tpu.memory_space<semaphore_mem>> -> memref<!tpu.dma_semaphore, #tpu.memory_space<semaphore_mem>>
      %dma_start3A_193 = arith.constant 0 : i32
      %dma_start3A_194 = tpu.memref_slice %arg4[%add3A_182, %dma_start3A_193] : memref<819200x128xf32, #tpu.memory_space<hbm>> -> memref<128x128xf32, #tpu.memory_space<hbm>>
      %dma_start3A_195 = arith.constant 0 : i32
      %dma_start3A_196 = arith.constant 0 : i32
      %dma_start3A_197 = tpu.memref_slice %arg6[%dma_start3A_183, %dma_start3A_195, %dma_start3A_196] : memref<4x128x128xf32, #tpu.memory_space<vmem>> -> memref<1x128x128xf32, #tpu.memory_space<vmem>>
      %dma_start3A_198 = tpu.memref_squeeze %dma_start3A_197 : memref<1x128x128xf32, #tpu.memory_space<vmem>> -> memref<128x128xf32, #tpu.memory_space<vmem>>
      tpu.enqueue_dma source(%dma_start3A_198 : memref<128x128xf32, #tpu.memory_space<vmem>>) target(%dma_start3A_194 : memref<128x128xf32, #tpu.memory_space<hbm>>) target_semaphore(%dma_start3A_192 : memref<!tpu.dma_semaphore, #tpu.memory_space<semaphore_mem>>)
      %add3A_199 = arith.constant 4 : i32
      %add3A_200 = arith.addi %add3A_164, %add3A_199 : i32
      %lt3A = arith.constant 200 : i32
      %lt3A_201 = arith.cmpi slt, %add3A_200, %lt3A : i32
      %convert_element_type3A = arith.extui %lt3A_201 : i1 to i32
      %cond3A = arith.constant 0 : i32
      %cond3A_202 = arith.cmpi ne, %convert_element_type3A, %cond3A : i32
      scf.if %cond3A_202 {
        %add3A_379 = arith.constant 4 : i32
        %add3A_380 = arith.addi %add3A_164, %add3A_379 : i32
        %mul3A_381 = arith.constant 128 : i32
        %mul3A_382 = arith.muli %add3A_380, %mul3A_381 : i32
        %add3A_383 = arith.addi %mul3A_2, %mul3A_382 : i32
        %dma_start3A_384 = arith.constant 0 : i32
        %dma_start3A_385 = arith.constant 0 : i32
        %dma_start3A_386 = arith.constant 0 : i32
        %dma_start3A_387 = tpu.memref_slice %arg5[%dma_start3A_384, %dma_start3A_386] : memref<4x128xi32, #tpu.memory_space<vmem>> -> memref<1x128xi32, #tpu.memory_space<vmem>>
        %dma_start3A_388 = tpu.memref_squeeze %dma_start3A_387 : memref<1x128xi32, #tpu.memory_space<vmem>> -> memref<128xi32, #tpu.memory_space<vmem>>
        %dma_start3A_389 = tpu.memref_slice %arg2[%add3A_383] : memref<819200xi32, #tpu.memory_space<hbm>> -> memref<128xi32, #tpu.memory_space<hbm>>
        %dma_start3A_390 = tpu.memref_slice %arg9[%dma_start3A_385] : memref<4x!tpu.dma_semaphore, #tpu.memory_space<semaphore_mem>> -> memref<1x!tpu.dma_semaphore, #tpu.memory_space<semaphore_mem>>
        %dma_start3A_391 = tpu.memref_squeeze %dma_start3A_390 : memref<1x!tpu.dma_semaphore, #tpu.memory_space<semaphore_mem>> -> memref<!tpu.dma_semaphore, #tpu.memory_space<semaphore_mem>>
        %dma_start3A_392 = arith.constant 0 : i32
        %dma_start3A_393 = tpu.memref_slice %arg5[%dma_start3A_384, %dma_start3A_392] : memref<4x128xi32, #tpu.memory_space<vmem>> -> memref<1x128xi32, #tpu.memory_space<vmem>>
        %dma_start3A_394 = tpu.memref_squeeze %dma_start3A_393 : memref<1x128xi32, #tpu.memory_space<vmem>> -> memref<128xi32, #tpu.memory_space<vmem>>
        %dma_start3A_395 = tpu.memref_slice %arg2[%add3A_383] : memref<819200xi32, #tpu.memory_space<hbm>> -> memref<128xi32, #tpu.memory_space<hbm>>
        tpu.enqueue_dma source(%dma_start3A_395 : memref<128xi32, #tpu.memory_space<hbm>>) target(%dma_start3A_394 : memref<128xi32, #tpu.memory_space<vmem>>) target_semaphore(%dma_start3A_391 : memref<!tpu.dma_semaphore, #tpu.memory_space<semaphore_mem>>)
      } else {
      }
      %ge3A = arith.constant 2 : i32
      %ge3A_203 = arith.cmpi sge, %add3A_164, %ge3A : i32
      %convert_element_type3A_204 = arith.extui %ge3A_203 : i1 to i32
      %cond3A_205 = arith.constant 0 : i32
      %cond3A_206 = arith.cmpi ne, %convert_element_type3A_204, %cond3A_205 : i32
      scf.if %cond3A_206 {
        %sub3A = arith.constant 2 : i32
        %sub3A_379 = arith.subi %add3A_164, %sub3A : i32
        %mul3A_380 = arith.constant 128 : i32
        %mul3A_381 = arith.muli %sub3A_379, %mul3A_380 : i32
        %add3A_382 = arith.addi %mul3A_2, %mul3A_381 : i32
        %dma_wait3A_383 = arith.constant 2 : i32
        %dma_wait3A_384 = arith.constant 2 : i32
        %dma_wait3A_385 = arith.constant 0 : i32
        %dma_wait3A_386 = arith.constant 0 : i32
        %dma_wait3A_387 = tpu.memref_slice %arg6[%dma_wait3A_383, %dma_wait3A_385, %dma_wait3A_386] : memref<4x128x128xf32, #tpu.memory_space<vmem>> -> memref<1x128x128xf32, #tpu.memory_space<vmem>>
        %dma_wait3A_388 = tpu.memref_squeeze %dma_wait3A_387 : memref<1x128x128xf32, #tpu.memory_space<vmem>> -> memref<128x128xf32, #tpu.memory_space<vmem>>
        %dma_wait3A_389 = arith.constant 0 : i32
        %dma_wait3A_390 = tpu.memref_slice %arg4[%add3A_382, %dma_wait3A_389] : memref<819200x128xf32, #tpu.memory_space<hbm>> -> memref<128x128xf32, #tpu.memory_space<hbm>>
        %dma_wait3A_391 = tpu.memref_slice %arg8[%dma_wait3A_384] : memref<4x!tpu.dma_semaphore, #tpu.memory_space<semaphore_mem>> -> memref<1x!tpu.dma_semaphore, #tpu.memory_space<semaphore_mem>>
        %dma_wait3A_392 = tpu.memref_squeeze %dma_wait3A_391 : memref<1x!tpu.dma_semaphore, #tpu.memory_space<semaphore_mem>> -> memref<!tpu.dma_semaphore, #tpu.memory_space<semaphore_mem>>
        %dma_wait3A_393 = arith.constant 0 : i32
        %dma_wait3A_394 = tpu.memref_slice %arg4[%add3A_382, %dma_wait3A_393] : memref<819200x128xf32, #tpu.memory_space<hbm>> -> memref<128x128xf32, #tpu.memory_space<hbm>>
        %dma_wait3A_395 = arith.constant 0 : i32
        %dma_wait3A_396 = arith.constant 0 : i32
        %dma_wait3A_397 = tpu.memref_slice %arg6[%dma_wait3A_383, %dma_wait3A_395, %dma_wait3A_396] : memref<4x128x128xf32, #tpu.memory_space<vmem>> -> memref<1x128x128xf32, #tpu.memory_space<vmem>>
        %dma_wait3A_398 = tpu.memref_squeeze %dma_wait3A_397 : memref<1x128x128xf32, #tpu.memory_space<vmem>> -> memref<128x128xf32, #tpu.memory_space<vmem>>
        tpu.wait_dma2 semaphore(%dma_wait3A_392 : memref<!tpu.dma_semaphore, #tpu.memory_space<semaphore_mem>>) src(%dma_wait3A_398 : memref<128x128xf32, #tpu.memory_space<vmem>>) dst(%dma_wait3A_394 : memref<128x128xf32, #tpu.memory_space<hbm>>)
      } else {
      }
      %add3A_207 = arith.constant 2 : i32
      %add3A_208 = arith.addi %add3A_164, %add3A_207 : i32
      %lt3A_209 = arith.constant 200 : i32
      %lt3A_210 = arith.cmpi slt, %add3A_208, %lt3A_209 : i32
      %convert_element_type3A_211 = arith.extui %lt3A_210 : i1 to i32
      %cond3A_212 = arith.constant 0 : i32
      %cond3A_213 = arith.cmpi ne, %convert_element_type3A_211, %cond3A_212 : i32
      scf.if %cond3A_213 {
        %add3A_379 = arith.constant 2 : i32
        %add3A_380 = arith.addi %add3A_164, %add3A_379 : i32
        %mul3A_381 = arith.constant 128 : i32
        %mul3A_382 = arith.muli %add3A_380, %mul3A_381 : i32
        %add3A_383 = arith.addi %mul3A_2, %mul3A_382 : i32
        %dma_wait3A_384 = arith.constant 2 : i32
        %dma_wait3A_385 = arith.constant 2 : i32
        %dma_wait3A_386 = arith.constant 0 : i32
        %dma_wait3A_387 = tpu.memref_slice %arg5[%dma_wait3A_384, %dma_wait3A_386] : memref<4x128xi32, #tpu.memory_space<vmem>> -> memref<1x128xi32, #tpu.memory_space<vmem>>
        %dma_wait3A_388 = tpu.memref_squeeze %dma_wait3A_387 : memref<1x128xi32, #tpu.memory_space<vmem>> -> memref<128xi32, #tpu.memory_space<vmem>>
        %dma_wait3A_389 = tpu.memref_slice %arg2[%add3A_383] : memref<819200xi32, #tpu.memory_space<hbm>> -> memref<128xi32, #tpu.memory_space<hbm>>
        %dma_wait3A_390 = tpu.memref_slice %arg9[%dma_wait3A_385] : memref<4x!tpu.dma_semaphore, #tpu.memory_space<semaphore_mem>> -> memref<1x!tpu.dma_semaphore, #tpu.memory_space<semaphore_mem>>
        %dma_wait3A_391 = tpu.memref_squeeze %dma_wait3A_390 : memref<1x!tpu.dma_semaphore, #tpu.memory_space<semaphore_mem>> -> memref<!tpu.dma_semaphore, #tpu.memory_space<semaphore_mem>>
        %dma_wait3A_392 = arith.constant 0 : i32
        %dma_wait3A_393 = tpu.memref_slice %arg5[%dma_wait3A_384, %dma_wait3A_392] : memref<4x128xi32, #tpu.memory_space<vmem>> -> memref<1x128xi32, #tpu.memory_space<vmem>>
        %dma_wait3A_394 = tpu.memref_squeeze %dma_wait3A_393 : memref<1x128xi32, #tpu.memory_space<vmem>> -> memref<128xi32, #tpu.memory_space<vmem>>
        %dma_wait3A_395 = tpu.memref_slice %arg2[%add3A_383] : memref<819200xi32, #tpu.memory_space<hbm>> -> memref<128xi32, #tpu.memory_space<hbm>>
        tpu.wait_dma2 semaphore(%dma_wait3A_391 : memref<!tpu.dma_semaphore, #tpu.memory_space<semaphore_mem>>) src(%dma_wait3A_395 : memref<128xi32, #tpu.memory_space<hbm>>) dst(%dma_wait3A_394 : memref<128xi32, #tpu.memory_space<vmem>>)
        %add3A_396 = arith.constant 2 : i32
        %add3A_397 = arith.addi %add3A_164, %add3A_396 : i32
        %dma_start3A_398 = arith.constant 2 : i32
        %dma_start3A_399 = arith.constant 2 : i32
        %dma_start3A_400 = arith.constant 2 : i32
        %dma_start3A_401 = arith.constant 0 : i32
        %dma_start3A_402 = arith.constant 0 : i32
        %dma_start3A_403 = tpu.memref_slice %arg6[%dma_start3A_399, %dma_start3A_401, %dma_start3A_402] : memref<4x128x128xf32, #tpu.memory_space<vmem>> -> memref<1x128x128xf32, #tpu.memory_space<vmem>>
        %dma_start3A_404 = tpu.memref_squeeze %dma_start3A_403 : memref<1x128x128xf32, #tpu.memory_space<vmem>> -> memref<128x128xf32, #tpu.memory_space<vmem>>
        %dma_start3A_405 = arith.constant 0 : i32
        %dma_start3A_406 = tpu.memref_slice %arg5[%dma_start3A_398, %dma_start3A_405] : memref<4x128xi32, #tpu.memory_space<vmem>> -> memref<1x128xi32, #tpu.memory_space<vmem>>
        %dma_start3A_407 = tpu.memref_squeeze %dma_start3A_406 : memref<1x128xi32, #tpu.memory_space<vmem>> -> memref<128xi32, #tpu.memory_space<vmem>>
        %dma_start3A_408 = arith.constant 0 : i32
        %dma_start3A_409 = arith.constant 0 : i32
        %dma_start3A_410 = tpu.memref_slice %arg10[%dma_start3A_408, %dma_start3A_409] : memref<6144x128xf32, #tpu.memory_space<vmem_shared>> -> memref<6144x128xf32, #tpu.memory_space<vmem_shared>>
        %dma_start3A_411 = tpu.memref_slice %arg7[%dma_start3A_400] : memref<4x!tpu.dma_semaphore, #tpu.memory_space<semaphore_mem>> -> memref<1x!tpu.dma_semaphore, #tpu.memory_space<semaphore_mem>>
        %dma_start3A_412 = tpu.memref_squeeze %dma_start3A_411 : memref<1x!tpu.dma_semaphore, #tpu.memory_space<semaphore_mem>> -> memref<!tpu.dma_semaphore, #tpu.memory_space<semaphore_mem>>
        tpu.enqueue_indirect_dma source(%dma_start3A_410 : memref<6144x128xf32, #tpu.memory_space<vmem_shared>>) target(%dma_start3A_404 : memref<128x128xf32, #tpu.memory_space<vmem>>) offsets(%dma_start3A_407 : memref<128xi32, #tpu.memory_space<vmem>>) semaphore(%dma_start3A_412 : memref<!tpu.dma_semaphore, #tpu.memory_space<semaphore_mem>>)
      } else {
      }
      %add3A_214 = arith.constant 1 : i32
      %add3A_215 = arith.addi %mul3A_162, %add3A_214 : i32
      %dma_wait3A_216 = arith.constant 1 : i32
      %dma_wait3A_217 = arith.constant 1 : i32
      %dma_wait3A_218 = arith.constant 1 : i32
      %dma_wait3A_219 = arith.constant 0 : i32
      %dma_wait3A_220 = arith.constant 0 : i32
      %dma_wait3A_221 = tpu.memref_slice %arg6[%dma_wait3A_217, %dma_wait3A_219, %dma_wait3A_220] : memref<4x128x128xf32, #tpu.memory_space<vmem>> -> memref<1x128x128xf32, #tpu.memory_space<vmem>>
      %dma_wait3A_222 = tpu.memref_squeeze %dma_wait3A_221 : memref<1x128x128xf32, #tpu.memory_space<vmem>> -> memref<128x128xf32, #tpu.memory_space<vmem>>
      %dma_wait3A_223 = arith.constant 0 : i32
      %dma_wait3A_224 = tpu.memref_slice %arg5[%dma_wait3A_216, %dma_wait3A_223] : memref<4x128xi32, #tpu.memory_space<vmem>> -> memref<1x128xi32, #tpu.memory_space<vmem>>
      %dma_wait3A_225 = tpu.memref_squeeze %dma_wait3A_224 : memref<1x128xi32, #tpu.memory_space<vmem>> -> memref<128xi32, #tpu.memory_space<vmem>>
      %dma_wait3A_226 = arith.constant 0 : i32
      %dma_wait3A_227 = arith.constant 0 : i32
      %dma_wait3A_228 = tpu.memref_slice %arg10[%dma_wait3A_226, %dma_wait3A_227] : memref<6144x128xf32, #tpu.memory_space<vmem_shared>> -> memref<6144x128xf32, #tpu.memory_space<vmem_shared>>
      %dma_wait3A_229 = tpu.memref_slice %arg7[%dma_wait3A_218] : memref<4x!tpu.dma_semaphore, #tpu.memory_space<semaphore_mem>> -> memref<1x!tpu.dma_semaphore, #tpu.memory_space<semaphore_mem>>
      %dma_wait3A_230 = tpu.memref_squeeze %dma_wait3A_229 : memref<1x!tpu.dma_semaphore, #tpu.memory_space<semaphore_mem>> -> memref<!tpu.dma_semaphore, #tpu.memory_space<semaphore_mem>>
      tpu.wait_indirect_dma semaphore(%dma_wait3A_230 : memref<!tpu.dma_semaphore, #tpu.memory_space<semaphore_mem>>) src(%dma_wait3A_228 : memref<6144x128xf32, #tpu.memory_space<vmem_shared>>) dst(%dma_wait3A_222 : memref<128x128xf32, #tpu.memory_space<vmem>>)
      %mul3A_231 = arith.constant 128 : i32
      %mul3A_232 = arith.muli %add3A_215, %mul3A_231 : i32
      %add3A_233 = arith.addi %mul3A_2, %mul3A_232 : i32
      %dma_start3A_234 = arith.constant 1 : i32
      %dma_start3A_235 = arith.constant 1 : i32
      %dma_start3A_236 = arith.constant 0 : i32
      %dma_start3A_237 = arith.constant 0 : i32
      %dma_start3A_238 = tpu.memref_slice %arg6[%dma_start3A_234, %dma_start3A_236, %dma_start3A_237] : memref<4x128x128xf32, #tpu.memory_space<vmem>> -> memref<1x128x128xf32, #tpu.memory_space<vmem>>
      %dma_start3A_239 = tpu.memref_squeeze %dma_start3A_238 : memref<1x128x128xf32, #tpu.memory_space<vmem>> -> memref<128x128xf32, #tpu.memory_space<vmem>>
      %dma_start3A_240 = arith.constant 0 : i32
      %dma_start3A_241 = tpu.memref_slice %arg4[%add3A_233, %dma_start3A_240] : memref<819200x128xf32, #tpu.memory_space<hbm>> -> memref<128x128xf32, #tpu.memory_space<hbm>>
      %dma_start3A_242 = tpu.memref_slice %arg8[%dma_start3A_235] : memref<4x!tpu.dma_semaphore, #tpu.memory_space<semaphore_mem>> -> memref<1x!tpu.dma_semaphore, #tpu.memory_space<semaphore_mem>>
      %dma_start3A_243 = tpu.memref_squeeze %dma_start3A_242 : memref<1x!tpu.dma_semaphore, #tpu.memory_space<semaphore_mem>> -> memref<!tpu.dma_semaphore, #tpu.memory_space<semaphore_mem>>
      %dma_start3A_244 = arith.constant 0 : i32
      %dma_start3A_245 = tpu.memref_slice %arg4[%add3A_233, %dma_start3A_244] : memref<819200x128xf32, #tpu.memory_space<hbm>> -> memref<128x128xf32, #tpu.memory_space<hbm>>
      %dma_start3A_246 = arith.constant 0 : i32
      %dma_start3A_247 = arith.constant 0 : i32
      %dma_start3A_248 = tpu.memref_slice %arg6[%dma_start3A_234, %dma_start3A_246, %dma_start3A_247] : memref<4x128x128xf32, #tpu.memory_space<vmem>> -> memref<1x128x128xf32, #tpu.memory_space<vmem>>
      %dma_start3A_249 = tpu.memref_squeeze %dma_start3A_248 : memref<1x128x128xf32, #tpu.memory_space<vmem>> -> memref<128x128xf32, #tpu.memory_space<vmem>>
      tpu.enqueue_dma source(%dma_start3A_249 : memref<128x128xf32, #tpu.memory_space<vmem>>) target(%dma_start3A_245 : memref<128x128xf32, #tpu.memory_space<hbm>>) target_semaphore(%dma_start3A_243 : memref<!tpu.dma_semaphore, #tpu.memory_space<semaphore_mem>>)
      %add3A_250 = arith.constant 4 : i32
      %add3A_251 = arith.addi %add3A_215, %add3A_250 : i32
      %lt3A_252 = arith.constant 200 : i32
      %lt3A_253 = arith.cmpi slt, %add3A_251, %lt3A_252 : i32
      %convert_element_type3A_254 = arith.extui %lt3A_253 : i1 to i32
      %cond3A_255 = arith.constant 0 : i32
      %cond3A_256 = arith.cmpi ne, %convert_element_type3A_254, %cond3A_255 : i32
      scf.if %cond3A_256 {
        %add3A_379 = arith.constant 4 : i32
        %add3A_380 = arith.addi %add3A_215, %add3A_379 : i32
        %mul3A_381 = arith.constant 128 : i32
        %mul3A_382 = arith.muli %add3A_380, %mul3A_381 : i32
        %add3A_383 = arith.addi %mul3A_2, %mul3A_382 : i32
        %dma_start3A_384 = arith.constant 1 : i32
        %dma_start3A_385 = arith.constant 1 : i32
        %dma_start3A_386 = arith.constant 0 : i32
        %dma_start3A_387 = tpu.memref_slice %arg5[%dma_start3A_384, %dma_start3A_386] : memref<4x128xi32, #tpu.memory_space<vmem>> -> memref<1x128xi32, #tpu.memory_space<vmem>>
        %dma_start3A_388 = tpu.memref_squeeze %dma_start3A_387 : memref<1x128xi32, #tpu.memory_space<vmem>> -> memref<128xi32, #tpu.memory_space<vmem>>
        %dma_start3A_389 = tpu.memref_slice %arg2[%add3A_383] : memref<819200xi32, #tpu.memory_space<hbm>> -> memref<128xi32, #tpu.memory_space<hbm>>
        %dma_start3A_390 = tpu.memref_slice %arg9[%dma_start3A_385] : memref<4x!tpu.dma_semaphore, #tpu.memory_space<semaphore_mem>> -> memref<1x!tpu.dma_semaphore, #tpu.memory_space<semaphore_mem>>
        %dma_start3A_391 = tpu.memref_squeeze %dma_start3A_390 : memref<1x!tpu.dma_semaphore, #tpu.memory_space<semaphore_mem>> -> memref<!tpu.dma_semaphore, #tpu.memory_space<semaphore_mem>>
        %dma_start3A_392 = arith.constant 0 : i32
        %dma_start3A_393 = tpu.memref_slice %arg5[%dma_start3A_384, %dma_start3A_392] : memref<4x128xi32, #tpu.memory_space<vmem>> -> memref<1x128xi32, #tpu.memory_space<vmem>>
        %dma_start3A_394 = tpu.memref_squeeze %dma_start3A_393 : memref<1x128xi32, #tpu.memory_space<vmem>> -> memref<128xi32, #tpu.memory_space<vmem>>
        %dma_start3A_395 = tpu.memref_slice %arg2[%add3A_383] : memref<819200xi32, #tpu.memory_space<hbm>> -> memref<128xi32, #tpu.memory_space<hbm>>
        tpu.enqueue_dma source(%dma_start3A_395 : memref<128xi32, #tpu.memory_space<hbm>>) target(%dma_start3A_394 : memref<128xi32, #tpu.memory_space<vmem>>) target_semaphore(%dma_start3A_391 : memref<!tpu.dma_semaphore, #tpu.memory_space<semaphore_mem>>)
      } else {
      }
      %ge3A_257 = arith.constant 2 : i32
      %ge3A_258 = arith.cmpi sge, %add3A_215, %ge3A_257 : i32
      %convert_element_type3A_259 = arith.extui %ge3A_258 : i1 to i32
      %cond3A_260 = arith.constant 0 : i32
      %cond3A_261 = arith.cmpi ne, %convert_element_type3A_259, %cond3A_260 : i32
      scf.if %cond3A_261 {
        %sub3A = arith.constant 2 : i32
        %sub3A_379 = arith.subi %add3A_215, %sub3A : i32
        %mul3A_380 = arith.constant 128 : i32
        %mul3A_381 = arith.muli %sub3A_379, %mul3A_380 : i32
        %add3A_382 = arith.addi %mul3A_2, %mul3A_381 : i32
        %dma_wait3A_383 = arith.constant 3 : i32
        %dma_wait3A_384 = arith.constant 3 : i32
        %dma_wait3A_385 = arith.constant 0 : i32
        %dma_wait3A_386 = arith.constant 0 : i32
        %dma_wait3A_387 = tpu.memref_slice %arg6[%dma_wait3A_383, %dma_wait3A_385, %dma_wait3A_386] : memref<4x128x128xf32, #tpu.memory_space<vmem>> -> memref<1x128x128xf32, #tpu.memory_space<vmem>>
        %dma_wait3A_388 = tpu.memref_squeeze %dma_wait3A_387 : memref<1x128x128xf32, #tpu.memory_space<vmem>> -> memref<128x128xf32, #tpu.memory_space<vmem>>
        %dma_wait3A_389 = arith.constant 0 : i32
        %dma_wait3A_390 = tpu.memref_slice %arg4[%add3A_382, %dma_wait3A_389] : memref<819200x128xf32, #tpu.memory_space<hbm>> -> memref<128x128xf32, #tpu.memory_space<hbm>>
        %dma_wait3A_391 = tpu.memref_slice %arg8[%dma_wait3A_384] : memref<4x!tpu.dma_semaphore, #tpu.memory_space<semaphore_mem>> -> memref<1x!tpu.dma_semaphore, #tpu.memory_space<semaphore_mem>>
        %dma_wait3A_392 = tpu.memref_squeeze %dma_wait3A_391 : memref<1x!tpu.dma_semaphore, #tpu.memory_space<semaphore_mem>> -> memref<!tpu.dma_semaphore, #tpu.memory_space<semaphore_mem>>
        %dma_wait3A_393 = arith.constant 0 : i32
        %dma_wait3A_394 = tpu.memref_slice %arg4[%add3A_382, %dma_wait3A_393] : memref<819200x128xf32, #tpu.memory_space<hbm>> -> memref<128x128xf32, #tpu.memory_space<hbm>>
        %dma_wait3A_395 = arith.constant 0 : i32
        %dma_wait3A_396 = arith.constant 0 : i32
        %dma_wait3A_397 = tpu.memref_slice %arg6[%dma_wait3A_383, %dma_wait3A_395, %dma_wait3A_396] : memref<4x128x128xf32, #tpu.memory_space<vmem>> -> memref<1x128x128xf32, #tpu.memory_space<vmem>>
        %dma_wait3A_398 = tpu.memref_squeeze %dma_wait3A_397 : memref<1x128x128xf32, #tpu.memory_space<vmem>> -> memref<128x128xf32, #tpu.memory_space<vmem>>
        tpu.wait_dma2 semaphore(%dma_wait3A_392 : memref<!tpu.dma_semaphore, #tpu.memory_space<semaphore_mem>>) src(%dma_wait3A_398 : memref<128x128xf32, #tpu.memory_space<vmem>>) dst(%dma_wait3A_394 : memref<128x128xf32, #tpu.memory_space<hbm>>)
      } else {
      }
      %add3A_262 = arith.constant 2 : i32
      %add3A_263 = arith.addi %add3A_215, %add3A_262 : i32
      %lt3A_264 = arith.constant 200 : i32
      %lt3A_265 = arith.cmpi slt, %add3A_263, %lt3A_264 : i32
      %convert_element_type3A_266 = arith.extui %lt3A_265 : i1 to i32
      %cond3A_267 = arith.constant 0 : i32
      %cond3A_268 = arith.cmpi ne, %convert_element_type3A_266, %cond3A_267 : i32
      scf.if %cond3A_268 {
        %add3A_379 = arith.constant 2 : i32
        %add3A_380 = arith.addi %add3A_215, %add3A_379 : i32
        %mul3A_381 = arith.constant 128 : i32
        %mul3A_382 = arith.muli %add3A_380, %mul3A_381 : i32
        %add3A_383 = arith.addi %mul3A_2, %mul3A_382 : i32
        %dma_wait3A_384 = arith.constant 3 : i32
        %dma_wait3A_385 = arith.constant 3 : i32
        %dma_wait3A_386 = arith.constant 0 : i32
        %dma_wait3A_387 = tpu.memref_slice %arg5[%dma_wait3A_384, %dma_wait3A_386] : memref<4x128xi32, #tpu.memory_space<vmem>> -> memref<1x128xi32, #tpu.memory_space<vmem>>
        %dma_wait3A_388 = tpu.memref_squeeze %dma_wait3A_387 : memref<1x128xi32, #tpu.memory_space<vmem>> -> memref<128xi32, #tpu.memory_space<vmem>>
        %dma_wait3A_389 = tpu.memref_slice %arg2[%add3A_383] : memref<819200xi32, #tpu.memory_space<hbm>> -> memref<128xi32, #tpu.memory_space<hbm>>
        %dma_wait3A_390 = tpu.memref_slice %arg9[%dma_wait3A_385] : memref<4x!tpu.dma_semaphore, #tpu.memory_space<semaphore_mem>> -> memref<1x!tpu.dma_semaphore, #tpu.memory_space<semaphore_mem>>
        %dma_wait3A_391 = tpu.memref_squeeze %dma_wait3A_390 : memref<1x!tpu.dma_semaphore, #tpu.memory_space<semaphore_mem>> -> memref<!tpu.dma_semaphore, #tpu.memory_space<semaphore_mem>>
        %dma_wait3A_392 = arith.constant 0 : i32
        %dma_wait3A_393 = tpu.memref_slice %arg5[%dma_wait3A_384, %dma_wait3A_392] : memref<4x128xi32, #tpu.memory_space<vmem>> -> memref<1x128xi32, #tpu.memory_space<vmem>>
        %dma_wait3A_394 = tpu.memref_squeeze %dma_wait3A_393 : memref<1x128xi32, #tpu.memory_space<vmem>> -> memref<128xi32, #tpu.memory_space<vmem>>
        %dma_wait3A_395 = tpu.memref_slice %arg2[%add3A_383] : memref<819200xi32, #tpu.memory_space<hbm>> -> memref<128xi32, #tpu.memory_space<hbm>>
        tpu.wait_dma2 semaphore(%dma_wait3A_391 : memref<!tpu.dma_semaphore, #tpu.memory_space<semaphore_mem>>) src(%dma_wait3A_395 : memref<128xi32, #tpu.memory_space<hbm>>) dst(%dma_wait3A_394 : memref<128xi32, #tpu.memory_space<vmem>>)
        %add3A_396 = arith.constant 2 : i32
        %add3A_397 = arith.addi %add3A_215, %add3A_396 : i32
        %dma_start3A_398 = arith.constant 3 : i32
        %dma_start3A_399 = arith.constant 3 : i32
        %dma_start3A_400 = arith.constant 3 : i32
        %dma_start3A_401 = arith.constant 0 : i32
        %dma_start3A_402 = arith.constant 0 : i32
        %dma_start3A_403 = tpu.memref_slice %arg6[%dma_start3A_399, %dma_start3A_401, %dma_start3A_402] : memref<4x128x128xf32, #tpu.memory_space<vmem>> -> memref<1x128x128xf32, #tpu.memory_space<vmem>>
        %dma_start3A_404 = tpu.memref_squeeze %dma_start3A_403 : memref<1x128x128xf32, #tpu.memory_space<vmem>> -> memref<128x128xf32, #tpu.memory_space<vmem>>
        %dma_start3A_405 = arith.constant 0 : i32
        %dma_start3A_406 = tpu.memref_slice %arg5[%dma_start3A_398, %dma_start3A_405] : memref<4x128xi32, #tpu.memory_space<vmem>> -> memref<1x128xi32, #tpu.memory_space<vmem>>
        %dma_start3A_407 = tpu.memref_squeeze %dma_start3A_406 : memref<1x128xi32, #tpu.memory_space<vmem>> -> memref<128xi32, #tpu.memory_space<vmem>>
        %dma_start3A_408 = arith.constant 0 : i32
        %dma_start3A_409 = arith.constant 0 : i32
        %dma_start3A_410 = tpu.memref_slice %arg10[%dma_start3A_408, %dma_start3A_409] : memref<6144x128xf32, #tpu.memory_space<vmem_shared>> -> memref<6144x128xf32, #tpu.memory_space<vmem_shared>>
        %dma_start3A_411 = tpu.memref_slice %arg7[%dma_start3A_400] : memref<4x!tpu.dma_semaphore, #tpu.memory_space<semaphore_mem>> -> memref<1x!tpu.dma_semaphore, #tpu.memory_space<semaphore_mem>>
        %dma_start3A_412 = tpu.memref_squeeze %dma_start3A_411 : memref<1x!tpu.dma_semaphore, #tpu.memory_space<semaphore_mem>> -> memref<!tpu.dma_semaphore, #tpu.memory_space<semaphore_mem>>
        tpu.enqueue_indirect_dma source(%dma_start3A_410 : memref<6144x128xf32, #tpu.memory_space<vmem_shared>>) target(%dma_start3A_404 : memref<128x128xf32, #tpu.memory_space<vmem>>) offsets(%dma_start3A_407 : memref<128xi32, #tpu.memory_space<vmem>>) semaphore(%dma_start3A_412 : memref<!tpu.dma_semaphore, #tpu.memory_space<semaphore_mem>>)
      } else {
      }
      %add3A_269 = arith.constant 2 : i32
      %add3A_270 = arith.addi %mul3A_162, %add3A_269 : i32
      %dma_wait3A_271 = arith.constant 2 : i32
      %dma_wait3A_272 = arith.constant 2 : i32
      %dma_wait3A_273 = arith.constant 2 : i32
      %dma_wait3A_274 = arith.constant 0 : i32
      %dma_wait3A_275 = arith.constant 0 : i32
      %dma_wait3A_276 = tpu.memref_slice %arg6[%dma_wait3A_272, %dma_wait3A_274, %dma_wait3A_275] : memref<4x128x128xf32, #tpu.memory_space<vmem>> -> memref<1x128x128xf32, #tpu.memory_space<vmem>>
      %dma_wait3A_277 = tpu.memref_squeeze %dma_wait3A_276 : memref<1x128x128xf32, #tpu.memory_space<vmem>> -> memref<128x128xf32, #tpu.memory_space<vmem>>
      %dma_wait3A_278 = arith.constant 0 : i32
      %dma_wait3A_279 = tpu.memref_slice %arg5[%dma_wait3A_271, %dma_wait3A_278] : memref<4x128xi32, #tpu.memory_space<vmem>> -> memref<1x128xi32, #tpu.memory_space<vmem>>
      %dma_wait3A_280 = tpu.memref_squeeze %dma_wait3A_279 : memref<1x128xi32, #tpu.memory_space<vmem>> -> memref<128xi32, #tpu.memory_space<vmem>>
      %dma_wait3A_281 = arith.constant 0 : i32
      %dma_wait3A_282 = arith.constant 0 : i32
      %dma_wait3A_283 = tpu.memref_slice %arg10[%dma_wait3A_281, %dma_wait3A_282] : memref<6144x128xf32, #tpu.memory_space<vmem_shared>> -> memref<6144x128xf32, #tpu.memory_space<vmem_shared>>
      %dma_wait3A_284 = tpu.memref_slice %arg7[%dma_wait3A_273] : memref<4x!tpu.dma_semaphore, #tpu.memory_space<semaphore_mem>> -> memref<1x!tpu.dma_semaphore, #tpu.memory_space<semaphore_mem>>
      %dma_wait3A_285 = tpu.memref_squeeze %dma_wait3A_284 : memref<1x!tpu.dma_semaphore, #tpu.memory_space<semaphore_mem>> -> memref<!tpu.dma_semaphore, #tpu.memory_space<semaphore_mem>>
      tpu.wait_indirect_dma semaphore(%dma_wait3A_285 : memref<!tpu.dma_semaphore, #tpu.memory_space<semaphore_mem>>) src(%dma_wait3A_283 : memref<6144x128xf32, #tpu.memory_space<vmem_shared>>) dst(%dma_wait3A_277 : memref<128x128xf32, #tpu.memory_space<vmem>>)
      %mul3A_286 = arith.constant 128 : i32
      %mul3A_287 = arith.muli %add3A_270, %mul3A_286 : i32
      %add3A_288 = arith.addi %mul3A_2, %mul3A_287 : i32
      %dma_start3A_289 = arith.constant 2 : i32
      %dma_start3A_290 = arith.constant 2 : i32
      %dma_start3A_291 = arith.constant 0 : i32
      %dma_start3A_292 = arith.constant 0 : i32
      %dma_start3A_293 = tpu.memref_slice %arg6[%dma_start3A_289, %dma_start3A_291, %dma_start3A_292] : memref<4x128x128xf32, #tpu.memory_space<vmem>> -> memref<1x128x128xf32, #tpu.memory_space<vmem>>
      %dma_start3A_294 = tpu.memref_squeeze %dma_start3A_293 : memref<1x128x128xf32, #tpu.memory_space<vmem>> -> memref<128x128xf32, #tpu.memory_space<vmem>>
      %dma_start3A_295 = arith.constant 0 : i32
      %dma_start3A_296 = tpu.memref_slice %arg4[%add3A_288, %dma_start3A_295] : memref<819200x128xf32, #tpu.memory_space<hbm>> -> memref<128x128xf32, #tpu.memory_space<hbm>>
      %dma_start3A_297 = tpu.memref_slice %arg8[%dma_start3A_290] : memref<4x!tpu.dma_semaphore, #tpu.memory_space<semaphore_mem>> -> memref<1x!tpu.dma_semaphore, #tpu.memory_space<semaphore_mem>>
      %dma_start3A_298 = tpu.memref_squeeze %dma_start3A_297 : memref<1x!tpu.dma_semaphore, #tpu.memory_space<semaphore_mem>> -> memref<!tpu.dma_semaphore, #tpu.memory_space<semaphore_mem>>
      %dma_start3A_299 = arith.constant 0 : i32
      %dma_start3A_300 = tpu.memref_slice %arg4[%add3A_288, %dma_start3A_299] : memref<819200x128xf32, #tpu.memory_space<hbm>> -> memref<128x128xf32, #tpu.memory_space<hbm>>
      %dma_start3A_301 = arith.constant 0 : i32
      %dma_start3A_302 = arith.constant 0 : i32
      %dma_start3A_303 = tpu.memref_slice %arg6[%dma_start3A_289, %dma_start3A_301, %dma_start3A_302] : memref<4x128x128xf32, #tpu.memory_space<vmem>> -> memref<1x128x128xf32, #tpu.memory_space<vmem>>
      %dma_start3A_304 = tpu.memref_squeeze %dma_start3A_303 : memref<1x128x128xf32, #tpu.memory_space<vmem>> -> memref<128x128xf32, #tpu.memory_space<vmem>>
      tpu.enqueue_dma source(%dma_start3A_304 : memref<128x128xf32, #tpu.memory_space<vmem>>) target(%dma_start3A_300 : memref<128x128xf32, #tpu.memory_space<hbm>>) target_semaphore(%dma_start3A_298 : memref<!tpu.dma_semaphore, #tpu.memory_space<semaphore_mem>>)
      %add3A_305 = arith.constant 4 : i32
      %add3A_306 = arith.addi %add3A_270, %add3A_305 : i32
      %lt3A_307 = arith.constant 200 : i32
      %lt3A_308 = arith.cmpi slt, %add3A_306, %lt3A_307 : i32
      %convert_element_type3A_309 = arith.extui %lt3A_308 : i1 to i32
      %cond3A_310 = arith.constant 0 : i32
      %cond3A_311 = arith.cmpi ne, %convert_element_type3A_309, %cond3A_310 : i32
      scf.if %cond3A_311 {
        %add3A_379 = arith.constant 4 : i32
        %add3A_380 = arith.addi %add3A_270, %add3A_379 : i32
        %mul3A_381 = arith.constant 128 : i32
        %mul3A_382 = arith.muli %add3A_380, %mul3A_381 : i32
        %add3A_383 = arith.addi %mul3A_2, %mul3A_382 : i32
        %dma_start3A_384 = arith.constant 2 : i32
        %dma_start3A_385 = arith.constant 2 : i32
        %dma_start3A_386 = arith.constant 0 : i32
        %dma_start3A_387 = tpu.memref_slice %arg5[%dma_start3A_384, %dma_start3A_386] : memref<4x128xi32, #tpu.memory_space<vmem>> -> memref<1x128xi32, #tpu.memory_space<vmem>>
        %dma_start3A_388 = tpu.memref_squeeze %dma_start3A_387 : memref<1x128xi32, #tpu.memory_space<vmem>> -> memref<128xi32, #tpu.memory_space<vmem>>
        %dma_start3A_389 = tpu.memref_slice %arg2[%add3A_383] : memref<819200xi32, #tpu.memory_space<hbm>> -> memref<128xi32, #tpu.memory_space<hbm>>
        %dma_start3A_390 = tpu.memref_slice %arg9[%dma_start3A_385] : memref<4x!tpu.dma_semaphore, #tpu.memory_space<semaphore_mem>> -> memref<1x!tpu.dma_semaphore, #tpu.memory_space<semaphore_mem>>
        %dma_start3A_391 = tpu.memref_squeeze %dma_start3A_390 : memref<1x!tpu.dma_semaphore, #tpu.memory_space<semaphore_mem>> -> memref<!tpu.dma_semaphore, #tpu.memory_space<semaphore_mem>>
        %dma_start3A_392 = arith.constant 0 : i32
        %dma_start3A_393 = tpu.memref_slice %arg5[%dma_start3A_384, %dma_start3A_392] : memref<4x128xi32, #tpu.memory_space<vmem>> -> memref<1x128xi32, #tpu.memory_space<vmem>>
        %dma_start3A_394 = tpu.memref_squeeze %dma_start3A_393 : memref<1x128xi32, #tpu.memory_space<vmem>> -> memref<128xi32, #tpu.memory_space<vmem>>
        %dma_start3A_395 = tpu.memref_slice %arg2[%add3A_383] : memref<819200xi32, #tpu.memory_space<hbm>> -> memref<128xi32, #tpu.memory_space<hbm>>
        tpu.enqueue_dma source(%dma_start3A_395 : memref<128xi32, #tpu.memory_space<hbm>>) target(%dma_start3A_394 : memref<128xi32, #tpu.memory_space<vmem>>) target_semaphore(%dma_start3A_391 : memref<!tpu.dma_semaphore, #tpu.memory_space<semaphore_mem>>)
      } else {
      }
      %ge3A_312 = arith.constant 2 : i32
      %ge3A_313 = arith.cmpi sge, %add3A_270, %ge3A_312 : i32
      %convert_element_type3A_314 = arith.extui %ge3A_313 : i1 to i32
      %cond3A_315 = arith.constant 0 : i32
      %cond3A_316 = arith.cmpi ne, %convert_element_type3A_314, %cond3A_315 : i32
      scf.if %cond3A_316 {
        %sub3A = arith.constant 2 : i32
        %sub3A_379 = arith.subi %add3A_270, %sub3A : i32
        %mul3A_380 = arith.constant 128 : i32
        %mul3A_381 = arith.muli %sub3A_379, %mul3A_380 : i32
        %add3A_382 = arith.addi %mul3A_2, %mul3A_381 : i32
        %dma_wait3A_383 = arith.constant 0 : i32
        %dma_wait3A_384 = arith.constant 0 : i32
        %dma_wait3A_385 = arith.constant 0 : i32
        %dma_wait3A_386 = arith.constant 0 : i32
        %dma_wait3A_387 = tpu.memref_slice %arg6[%dma_wait3A_383, %dma_wait3A_385, %dma_wait3A_386] : memref<4x128x128xf32, #tpu.memory_space<vmem>> -> memref<1x128x128xf32, #tpu.memory_space<vmem>>
        %dma_wait3A_388 = tpu.memref_squeeze %dma_wait3A_387 : memref<1x128x128xf32, #tpu.memory_space<vmem>> -> memref<128x128xf32, #tpu.memory_space<vmem>>
        %dma_wait3A_389 = arith.constant 0 : i32
        %dma_wait3A_390 = tpu.memref_slice %arg4[%add3A_382, %dma_wait3A_389] : memref<819200x128xf32, #tpu.memory_space<hbm>> -> memref<128x128xf32, #tpu.memory_space<hbm>>
        %dma_wait3A_391 = tpu.memref_slice %arg8[%dma_wait3A_384] : memref<4x!tpu.dma_semaphore, #tpu.memory_space<semaphore_mem>> -> memref<1x!tpu.dma_semaphore, #tpu.memory_space<semaphore_mem>>
        %dma_wait3A_392 = tpu.memref_squeeze %dma_wait3A_391 : memref<1x!tpu.dma_semaphore, #tpu.memory_space<semaphore_mem>> -> memref<!tpu.dma_semaphore, #tpu.memory_space<semaphore_mem>>
        %dma_wait3A_393 = arith.constant 0 : i32
        %dma_wait3A_394 = tpu.memref_slice %arg4[%add3A_382, %dma_wait3A_393] : memref<819200x128xf32, #tpu.memory_space<hbm>> -> memref<128x128xf32, #tpu.memory_space<hbm>>
        %dma_wait3A_395 = arith.constant 0 : i32
        %dma_wait3A_396 = arith.constant 0 : i32
        %dma_wait3A_397 = tpu.memref_slice %arg6[%dma_wait3A_383, %dma_wait3A_395, %dma_wait3A_396] : memref<4x128x128xf32, #tpu.memory_space<vmem>> -> memref<1x128x128xf32, #tpu.memory_space<vmem>>
        %dma_wait3A_398 = tpu.memref_squeeze %dma_wait3A_397 : memref<1x128x128xf32, #tpu.memory_space<vmem>> -> memref<128x128xf32, #tpu.memory_space<vmem>>
        tpu.wait_dma2 semaphore(%dma_wait3A_392 : memref<!tpu.dma_semaphore, #tpu.memory_space<semaphore_mem>>) src(%dma_wait3A_398 : memref<128x128xf32, #tpu.memory_space<vmem>>) dst(%dma_wait3A_394 : memref<128x128xf32, #tpu.memory_space<hbm>>)
      } else {
      }
      %add3A_317 = arith.constant 2 : i32
      %add3A_318 = arith.addi %add3A_270, %add3A_317 : i32
      %lt3A_319 = arith.constant 200 : i32
      %lt3A_320 = arith.cmpi slt, %add3A_318, %lt3A_319 : i32
      %convert_element_type3A_321 = arith.extui %lt3A_320 : i1 to i32
      %cond3A_322 = arith.constant 0 : i32
      %cond3A_323 = arith.cmpi ne, %convert_element_type3A_321, %cond3A_322 : i32
      scf.if %cond3A_323 {
        %add3A_379 = arith.constant 2 : i32
        %add3A_380 = arith.addi %add3A_270, %add3A_379 : i32
        %mul3A_381 = arith.constant 128 : i32
        %mul3A_382 = arith.muli %add3A_380, %mul3A_381 : i32
        %add3A_383 = arith.addi %mul3A_2, %mul3A_382 : i32
        %dma_wait3A_384 = arith.constant 0 : i32
        %dma_wait3A_385 = arith.constant 0 : i32
        %dma_wait3A_386 = arith.constant 0 : i32
        %dma_wait3A_387 = tpu.memref_slice %arg5[%dma_wait3A_384, %dma_wait3A_386] : memref<4x128xi32, #tpu.memory_space<vmem>> -> memref<1x128xi32, #tpu.memory_space<vmem>>
        %dma_wait3A_388 = tpu.memref_squeeze %dma_wait3A_387 : memref<1x128xi32, #tpu.memory_space<vmem>> -> memref<128xi32, #tpu.memory_space<vmem>>
        %dma_wait3A_389 = tpu.memref_slice %arg2[%add3A_383] : memref<819200xi32, #tpu.memory_space<hbm>> -> memref<128xi32, #tpu.memory_space<hbm>>
        %dma_wait3A_390 = tpu.memref_slice %arg9[%dma_wait3A_385] : memref<4x!tpu.dma_semaphore, #tpu.memory_space<semaphore_mem>> -> memref<1x!tpu.dma_semaphore, #tpu.memory_space<semaphore_mem>>
        %dma_wait3A_391 = tpu.memref_squeeze %dma_wait3A_390 : memref<1x!tpu.dma_semaphore, #tpu.memory_space<semaphore_mem>> -> memref<!tpu.dma_semaphore, #tpu.memory_space<semaphore_mem>>
        %dma_wait3A_392 = arith.constant 0 : i32
        %dma_wait3A_393 = tpu.memref_slice %arg5[%dma_wait3A_384, %dma_wait3A_392] : memref<4x128xi32, #tpu.memory_space<vmem>> -> memref<1x128xi32, #tpu.memory_space<vmem>>
        %dma_wait3A_394 = tpu.memref_squeeze %dma_wait3A_393 : memref<1x128xi32, #tpu.memory_space<vmem>> -> memref<128xi32, #tpu.memory_space<vmem>>
        %dma_wait3A_395 = tpu.memref_slice %arg2[%add3A_383] : memref<819200xi32, #tpu.memory_space<hbm>> -> memref<128xi32, #tpu.memory_space<hbm>>
        tpu.wait_dma2 semaphore(%dma_wait3A_391 : memref<!tpu.dma_semaphore, #tpu.memory_space<semaphore_mem>>) src(%dma_wait3A_395 : memref<128xi32, #tpu.memory_space<hbm>>) dst(%dma_wait3A_394 : memref<128xi32, #tpu.memory_space<vmem>>)
        %add3A_396 = arith.constant 2 : i32
        %add3A_397 = arith.addi %add3A_270, %add3A_396 : i32
        %dma_start3A_398 = arith.constant 0 : i32
        %dma_start3A_399 = arith.constant 0 : i32
        %dma_start3A_400 = arith.constant 0 : i32
        %dma_start3A_401 = arith.constant 0 : i32
        %dma_start3A_402 = arith.constant 0 : i32
        %dma_start3A_403 = tpu.memref_slice %arg6[%dma_start3A_399, %dma_start3A_401, %dma_start3A_402] : memref<4x128x128xf32, #tpu.memory_space<vmem>> -> memref<1x128x128xf32, #tpu.memory_space<vmem>>
        %dma_start3A_404 = tpu.memref_squeeze %dma_start3A_403 : memref<1x128x128xf32, #tpu.memory_space<vmem>> -> memref<128x128xf32, #tpu.memory_space<vmem>>
        %dma_start3A_405 = arith.constant 0 : i32
        %dma_start3A_406 = tpu.memref_slice %arg5[%dma_start3A_398, %dma_start3A_405] : memref<4x128xi32, #tpu.memory_space<vmem>> -> memref<1x128xi32, #tpu.memory_space<vmem>>
        %dma_start3A_407 = tpu.memref_squeeze %dma_start3A_406 : memref<1x128xi32, #tpu.memory_space<vmem>> -> memref<128xi32, #tpu.memory_space<vmem>>
        %dma_start3A_408 = arith.constant 0 : i32
        %dma_start3A_409 = arith.constant 0 : i32
        %dma_start3A_410 = tpu.memref_slice %arg10[%dma_start3A_408, %dma_start3A_409] : memref<6144x128xf32, #tpu.memory_space<vmem_shared>> -> memref<6144x128xf32, #tpu.memory_space<vmem_shared>>
        %dma_start3A_411 = tpu.memref_slice %arg7[%dma_start3A_400] : memref<4x!tpu.dma_semaphore, #tpu.memory_space<semaphore_mem>> -> memref<1x!tpu.dma_semaphore, #tpu.memory_space<semaphore_mem>>
        %dma_start3A_412 = tpu.memref_squeeze %dma_start3A_411 : memref<1x!tpu.dma_semaphore, #tpu.memory_space<semaphore_mem>> -> memref<!tpu.dma_semaphore, #tpu.memory_space<semaphore_mem>>
        tpu.enqueue_indirect_dma source(%dma_start3A_410 : memref<6144x128xf32, #tpu.memory_space<vmem_shared>>) target(%dma_start3A_404 : memref<128x128xf32, #tpu.memory_space<vmem>>) offsets(%dma_start3A_407 : memref<128xi32, #tpu.memory_space<vmem>>) semaphore(%dma_start3A_412 : memref<!tpu.dma_semaphore, #tpu.memory_space<semaphore_mem>>)
      } else {
      }
      %add3A_324 = arith.constant 3 : i32
      %add3A_325 = arith.addi %mul3A_162, %add3A_324 : i32
      %dma_wait3A_326 = arith.constant 3 : i32
      %dma_wait3A_327 = arith.constant 3 : i32
      %dma_wait3A_328 = arith.constant 3 : i32
      %dma_wait3A_329 = arith.constant 0 : i32
      %dma_wait3A_330 = arith.constant 0 : i32
      %dma_wait3A_331 = tpu.memref_slice %arg6[%dma_wait3A_327, %dma_wait3A_329, %dma_wait3A_330] : memref<4x128x128xf32, #tpu.memory_space<vmem>> -> memref<1x128x128xf32, #tpu.memory_space<vmem>>
      %dma_wait3A_332 = tpu.memref_squeeze %dma_wait3A_331 : memref<1x128x128xf32, #tpu.memory_space<vmem>> -> memref<128x128xf32, #tpu.memory_space<vmem>>
      %dma_wait3A_333 = arith.constant 0 : i32
      %dma_wait3A_334 = tpu.memref_slice %arg5[%dma_wait3A_326, %dma_wait3A_333] : memref<4x128xi32, #tpu.memory_space<vmem>> -> memref<1x128xi32, #tpu.memory_space<vmem>>
      %dma_wait3A_335 = tpu.memref_squeeze %dma_wait3A_334 : memref<1x128xi32, #tpu.memory_space<vmem>> -> memref<128xi32, #tpu.memory_space<vmem>>
      %dma_wait3A_336 = arith.constant 0 : i32
      %dma_wait3A_337 = arith.constant 0 : i32
      %dma_wait3A_338 = tpu.memref_slice %arg10[%dma_wait3A_336, %dma_wait3A_337] : memref<6144x128xf32, #tpu.memory_space<vmem_shared>> -> memref<6144x128xf32, #tpu.memory_space<vmem_shared>>
      %dma_wait3A_339 = tpu.memref_slice %arg7[%dma_wait3A_328] : memref<4x!tpu.dma_semaphore, #tpu.memory_space<semaphore_mem>> -> memref<1x!tpu.dma_semaphore, #tpu.memory_space<semaphore_mem>>
      %dma_wait3A_340 = tpu.memref_squeeze %dma_wait3A_339 : memref<1x!tpu.dma_semaphore, #tpu.memory_space<semaphore_mem>> -> memref<!tpu.dma_semaphore, #tpu.memory_space<semaphore_mem>>
      tpu.wait_indirect_dma semaphore(%dma_wait3A_340 : memref<!tpu.dma_semaphore, #tpu.memory_space<semaphore_mem>>) src(%dma_wait3A_338 : memref<6144x128xf32, #tpu.memory_space<vmem_shared>>) dst(%dma_wait3A_332 : memref<128x128xf32, #tpu.memory_space<vmem>>)
      %mul3A_341 = arith.constant 128 : i32
      %mul3A_342 = arith.muli %add3A_325, %mul3A_341 : i32
      %add3A_343 = arith.addi %mul3A_2, %mul3A_342 : i32
      %dma_start3A_344 = arith.constant 3 : i32
      %dma_start3A_345 = arith.constant 3 : i32
      %dma_start3A_346 = arith.constant 0 : i32
      %dma_start3A_347 = arith.constant 0 : i32
      %dma_start3A_348 = tpu.memref_slice %arg6[%dma_start3A_344, %dma_start3A_346, %dma_start3A_347] : memref<4x128x128xf32, #tpu.memory_space<vmem>> -> memref<1x128x128xf32, #tpu.memory_space<vmem>>
      %dma_start3A_349 = tpu.memref_squeeze %dma_start3A_348 : memref<1x128x128xf32, #tpu.memory_space<vmem>> -> memref<128x128xf32, #tpu.memory_space<vmem>>
      %dma_start3A_350 = arith.constant 0 : i32
      %dma_start3A_351 = tpu.memref_slice %arg4[%add3A_343, %dma_start3A_350] : memref<819200x128xf32, #tpu.memory_space<hbm>> -> memref<128x128xf32, #tpu.memory_space<hbm>>
      %dma_start3A_352 = tpu.memref_slice %arg8[%dma_start3A_345] : memref<4x!tpu.dma_semaphore, #tpu.memory_space<semaphore_mem>> -> memref<1x!tpu.dma_semaphore, #tpu.memory_space<semaphore_mem>>
      %dma_start3A_353 = tpu.memref_squeeze %dma_start3A_352 : memref<1x!tpu.dma_semaphore, #tpu.memory_space<semaphore_mem>> -> memref<!tpu.dma_semaphore, #tpu.memory_space<semaphore_mem>>
      %dma_start3A_354 = arith.constant 0 : i32
      %dma_start3A_355 = tpu.memref_slice %arg4[%add3A_343, %dma_start3A_354] : memref<819200x128xf32, #tpu.memory_space<hbm>> -> memref<128x128xf32, #tpu.memory_space<hbm>>
      %dma_start3A_356 = arith.constant 0 : i32
      %dma_start3A_357 = arith.constant 0 : i32
      %dma_start3A_358 = tpu.memref_slice %arg6[%dma_start3A_344, %dma_start3A_356, %dma_start3A_357] : memref<4x128x128xf32, #tpu.memory_space<vmem>> -> memref<1x128x128xf32, #tpu.memory_space<vmem>>
      %dma_start3A_359 = tpu.memref_squeeze %dma_start3A_358 : memref<1x128x128xf32, #tpu.memory_space<vmem>> -> memref<128x128xf32, #tpu.memory_space<vmem>>
      tpu.enqueue_dma source(%dma_start3A_359 : memref<128x128xf32, #tpu.memory_space<vmem>>) target(%dma_start3A_355 : memref<128x128xf32, #tpu.memory_space<hbm>>) target_semaphore(%dma_start3A_353 : memref<!tpu.dma_semaphore, #tpu.memory_space<semaphore_mem>>)
      %add3A_360 = arith.constant 4 : i32
      %add3A_361 = arith.addi %add3A_325, %add3A_360 : i32
      %lt3A_362 = arith.constant 200 : i32
      %lt3A_363 = arith.cmpi slt, %add3A_361, %lt3A_362 : i32
      %convert_element_type3A_364 = arith.extui %lt3A_363 : i1 to i32
      %cond3A_365 = arith.constant 0 : i32
      %cond3A_366 = arith.cmpi ne, %convert_element_type3A_364, %cond3A_365 : i32
      scf.if %cond3A_366 {
        %add3A_379 = arith.constant 4 : i32
        %add3A_380 = arith.addi %add3A_325, %add3A_379 : i32
        %mul3A_381 = arith.constant 128 : i32
        %mul3A_382 = arith.muli %add3A_380, %mul3A_381 : i32
        %add3A_383 = arith.addi %mul3A_2, %mul3A_382 : i32
        %dma_start3A_384 = arith.constant 3 : i32
        %dma_start3A_385 = arith.constant 3 : i32
        %dma_start3A_386 = arith.constant 0 : i32
        %dma_start3A_387 = tpu.memref_slice %arg5[%dma_start3A_384, %dma_start3A_386] : memref<4x128xi32, #tpu.memory_space<vmem>> -> memref<1x128xi32, #tpu.memory_space<vmem>>
        %dma_start3A_388 = tpu.memref_squeeze %dma_start3A_387 : memref<1x128xi32, #tpu.memory_space<vmem>> -> memref<128xi32, #tpu.memory_space<vmem>>
        %dma_start3A_389 = tpu.memref_slice %arg2[%add3A_383] : memref<819200xi32, #tpu.memory_space<hbm>> -> memref<128xi32, #tpu.memory_space<hbm>>
        %dma_start3A_390 = tpu.memref_slice %arg9[%dma_start3A_385] : memref<4x!tpu.dma_semaphore, #tpu.memory_space<semaphore_mem>> -> memref<1x!tpu.dma_semaphore, #tpu.memory_space<semaphore_mem>>
        %dma_start3A_391 = tpu.memref_squeeze %dma_start3A_390 : memref<1x!tpu.dma_semaphore, #tpu.memory_space<semaphore_mem>> -> memref<!tpu.dma_semaphore, #tpu.memory_space<semaphore_mem>>
        %dma_start3A_392 = arith.constant 0 : i32
        %dma_start3A_393 = tpu.memref_slice %arg5[%dma_start3A_384, %dma_start3A_392] : memref<4x128xi32, #tpu.memory_space<vmem>> -> memref<1x128xi32, #tpu.memory_space<vmem>>
        %dma_start3A_394 = tpu.memref_squeeze %dma_start3A_393 : memref<1x128xi32, #tpu.memory_space<vmem>> -> memref<128xi32, #tpu.memory_space<vmem>>
        %dma_start3A_395 = tpu.memref_slice %arg2[%add3A_383] : memref<819200xi32, #tpu.memory_space<hbm>> -> memref<128xi32, #tpu.memory_space<hbm>>
        tpu.enqueue_dma source(%dma_start3A_395 : memref<128xi32, #tpu.memory_space<hbm>>) target(%dma_start3A_394 : memref<128xi32, #tpu.memory_space<vmem>>) target_semaphore(%dma_start3A_391 : memref<!tpu.dma_semaphore, #tpu.memory_space<semaphore_mem>>)
      } else {
      }
      %ge3A_367 = arith.constant 2 : i32
      %ge3A_368 = arith.cmpi sge, %add3A_325, %ge3A_367 : i32
      %convert_element_type3A_369 = arith.extui %ge3A_368 : i1 to i32
      %cond3A_370 = arith.constant 0 : i32
      %cond3A_371 = arith.cmpi ne, %convert_element_type3A_369, %cond3A_370 : i32
      scf.if %cond3A_371 {
        %sub3A = arith.constant 2 : i32
        %sub3A_379 = arith.subi %add3A_325, %sub3A : i32
        %mul3A_380 = arith.constant 128 : i32
        %mul3A_381 = arith.muli %sub3A_379, %mul3A_380 : i32
        %add3A_382 = arith.addi %mul3A_2, %mul3A_381 : i32
        %dma_wait3A_383 = arith.constant 1 : i32
        %dma_wait3A_384 = arith.constant 1 : i32
        %dma_wait3A_385 = arith.constant 0 : i32
        %dma_wait3A_386 = arith.constant 0 : i32
        %dma_wait3A_387 = tpu.memref_slice %arg6[%dma_wait3A_383, %dma_wait3A_385, %dma_wait3A_386] : memref<4x128x128xf32, #tpu.memory_space<vmem>> -> memref<1x128x128xf32, #tpu.memory_space<vmem>>
        %dma_wait3A_388 = tpu.memref_squeeze %dma_wait3A_387 : memref<1x128x128xf32, #tpu.memory_space<vmem>> -> memref<128x128xf32, #tpu.memory_space<vmem>>
        %dma_wait3A_389 = arith.constant 0 : i32
        %dma_wait3A_390 = tpu.memref_slice %arg4[%add3A_382, %dma_wait3A_389] : memref<819200x128xf32, #tpu.memory_space<hbm>> -> memref<128x128xf32, #tpu.memory_space<hbm>>
        %dma_wait3A_391 = tpu.memref_slice %arg8[%dma_wait3A_384] : memref<4x!tpu.dma_semaphore, #tpu.memory_space<semaphore_mem>> -> memref<1x!tpu.dma_semaphore, #tpu.memory_space<semaphore_mem>>
        %dma_wait3A_392 = tpu.memref_squeeze %dma_wait3A_391 : memref<1x!tpu.dma_semaphore, #tpu.memory_space<semaphore_mem>> -> memref<!tpu.dma_semaphore, #tpu.memory_space<semaphore_mem>>
        %dma_wait3A_393 = arith.constant 0 : i32
        %dma_wait3A_394 = tpu.memref_slice %arg4[%add3A_382, %dma_wait3A_393] : memref<819200x128xf32, #tpu.memory_space<hbm>> -> memref<128x128xf32, #tpu.memory_space<hbm>>
        %dma_wait3A_395 = arith.constant 0 : i32
        %dma_wait3A_396 = arith.constant 0 : i32
        %dma_wait3A_397 = tpu.memref_slice %arg6[%dma_wait3A_383, %dma_wait3A_395, %dma_wait3A_396] : memref<4x128x128xf32, #tpu.memory_space<vmem>> -> memref<1x128x128xf32, #tpu.memory_space<vmem>>
        %dma_wait3A_398 = tpu.memref_squeeze %dma_wait3A_397 : memref<1x128x128xf32, #tpu.memory_space<vmem>> -> memref<128x128xf32, #tpu.memory_space<vmem>>
        tpu.wait_dma2 semaphore(%dma_wait3A_392 : memref<!tpu.dma_semaphore, #tpu.memory_space<semaphore_mem>>) src(%dma_wait3A_398 : memref<128x128xf32, #tpu.memory_space<vmem>>) dst(%dma_wait3A_394 : memref<128x128xf32, #tpu.memory_space<hbm>>)
      } else {
      }
      %add3A_372 = arith.constant 2 : i32
      %add3A_373 = arith.addi %add3A_325, %add3A_372 : i32
      %lt3A_374 = arith.constant 200 : i32
      %lt3A_375 = arith.cmpi slt, %add3A_373, %lt3A_374 : i32
      %convert_element_type3A_376 = arith.extui %lt3A_375 : i1 to i32
      %cond3A_377 = arith.constant 0 : i32
      %cond3A_378 = arith.cmpi ne, %convert_element_type3A_376, %cond3A_377 : i32
      scf.if %cond3A_378 {
        %add3A_379 = arith.constant 2 : i32
        %add3A_380 = arith.addi %add3A_325, %add3A_379 : i32
        %mul3A_381 = arith.constant 128 : i32
        %mul3A_382 = arith.muli %add3A_380, %mul3A_381 : i32
        %add3A_383 = arith.addi %mul3A_2, %mul3A_382 : i32
        %dma_wait3A_384 = arith.constant 1 : i32
        %dma_wait3A_385 = arith.constant 1 : i32
        %dma_wait3A_386 = arith.constant 0 : i32
        %dma_wait3A_387 = tpu.memref_slice %arg5[%dma_wait3A_384, %dma_wait3A_386] : memref<4x128xi32, #tpu.memory_space<vmem>> -> memref<1x128xi32, #tpu.memory_space<vmem>>
        %dma_wait3A_388 = tpu.memref_squeeze %dma_wait3A_387 : memref<1x128xi32, #tpu.memory_space<vmem>> -> memref<128xi32, #tpu.memory_space<vmem>>
        %dma_wait3A_389 = tpu.memref_slice %arg2[%add3A_383] : memref<819200xi32, #tpu.memory_space<hbm>> -> memref<128xi32, #tpu.memory_space<hbm>>
        %dma_wait3A_390 = tpu.memref_slice %arg9[%dma_wait3A_385] : memref<4x!tpu.dma_semaphore, #tpu.memory_space<semaphore_mem>> -> memref<1x!tpu.dma_semaphore, #tpu.memory_space<semaphore_mem>>
        %dma_wait3A_391 = tpu.memref_squeeze %dma_wait3A_390 : memref<1x!tpu.dma_semaphore, #tpu.memory_space<semaphore_mem>> -> memref<!tpu.dma_semaphore, #tpu.memory_space<semaphore_mem>>
        %dma_wait3A_392 = arith.constant 0 : i32
        %dma_wait3A_393 = tpu.memref_slice %arg5[%dma_wait3A_384, %dma_wait3A_392] : memref<4x128xi32, #tpu.memory_space<vmem>> -> memref<1x128xi32, #tpu.memory_space<vmem>>
        %dma_wait3A_394 = tpu.memref_squeeze %dma_wait3A_393 : memref<1x128xi32, #tpu.memory_space<vmem>> -> memref<128xi32, #tpu.memory_space<vmem>>
        %dma_wait3A_395 = tpu.memref_slice %arg2[%add3A_383] : memref<819200xi32, #tpu.memory_space<hbm>> -> memref<128xi32, #tpu.memory_space<hbm>>
        tpu.wait_dma2 semaphore(%dma_wait3A_391 : memref<!tpu.dma_semaphore, #tpu.memory_space<semaphore_mem>>) src(%dma_wait3A_395 : memref<128xi32, #tpu.memory_space<hbm>>) dst(%dma_wait3A_394 : memref<128xi32, #tpu.memory_space<vmem>>)
        %add3A_396 = arith.constant 2 : i32
        %add3A_397 = arith.addi %add3A_325, %add3A_396 : i32
        %dma_start3A_398 = arith.constant 1 : i32
        %dma_start3A_399 = arith.constant 1 : i32
        %dma_start3A_400 = arith.constant 1 : i32
        %dma_start3A_401 = arith.constant 0 : i32
        %dma_start3A_402 = arith.constant 0 : i32
        %dma_start3A_403 = tpu.memref_slice %arg6[%dma_start3A_399, %dma_start3A_401, %dma_start3A_402] : memref<4x128x128xf32, #tpu.memory_space<vmem>> -> memref<1x128x128xf32, #tpu.memory_space<vmem>>
        %dma_start3A_404 = tpu.memref_squeeze %dma_start3A_403 : memref<1x128x128xf32, #tpu.memory_space<vmem>> -> memref<128x128xf32, #tpu.memory_space<vmem>>
        %dma_start3A_405 = arith.constant 0 : i32
        %dma_start3A_406 = tpu.memref_slice %arg5[%dma_start3A_398, %dma_start3A_405] : memref<4x128xi32, #tpu.memory_space<vmem>> -> memref<1x128xi32, #tpu.memory_space<vmem>>
        %dma_start3A_407 = tpu.memref_squeeze %dma_start3A_406 : memref<1x128xi32, #tpu.memory_space<vmem>> -> memref<128xi32, #tpu.memory_space<vmem>>
        %dma_start3A_408 = arith.constant 0 : i32
        %dma_start3A_409 = arith.constant 0 : i32
        %dma_start3A_410 = tpu.memref_slice %arg10[%dma_start3A_408, %dma_start3A_409] : memref<6144x128xf32, #tpu.memory_space<vmem_shared>> -> memref<6144x128xf32, #tpu.memory_space<vmem_shared>>
        %dma_start3A_411 = tpu.memref_slice %arg7[%dma_start3A_400] : memref<4x!tpu.dma_semaphore, #tpu.memory_space<semaphore_mem>> -> memref<1x!tpu.dma_semaphore, #tpu.memory_space<semaphore_mem>>
        %dma_start3A_412 = tpu.memref_squeeze %dma_start3A_411 : memref<1x!tpu.dma_semaphore, #tpu.memory_space<semaphore_mem>> -> memref<!tpu.dma_semaphore, #tpu.memory_space<semaphore_mem>>
        tpu.enqueue_indirect_dma source(%dma_start3A_410 : memref<6144x128xf32, #tpu.memory_space<vmem_shared>>) target(%dma_start3A_404 : memref<128x128xf32, #tpu.memory_space<vmem>>) offsets(%dma_start3A_407 : memref<128xi32, #tpu.memory_space<vmem>>) semaphore(%dma_start3A_412 : memref<!tpu.dma_semaphore, #tpu.memory_space<semaphore_mem>>)
      } else {
      }
    }
    %scan3A_123 = arith.constant 50 : i32
    %add3A_124 = arith.constant 25344 : i32
    %add3A_125 = arith.addi %mul3A_2, %add3A_124 : i32
    %dma_wait3A_126 = arith.constant 2 : i32
    %dma_wait3A_127 = arith.constant 2 : i32
    %dma_wait3A_128 = arith.constant 0 : i32
    %dma_wait3A_129 = arith.constant 0 : i32
    %dma_wait3A_130 = tpu.memref_slice %arg6[%dma_wait3A_126, %dma_wait3A_128, %dma_wait3A_129] : memref<4x128x128xf32, #tpu.memory_space<vmem>> -> memref<1x128x128xf32, #tpu.memory_space<vmem>>
    %dma_wait3A_131 = tpu.memref_squeeze %dma_wait3A_130 : memref<1x128x128xf32, #tpu.memory_space<vmem>> -> memref<128x128xf32, #tpu.memory_space<vmem>>
    %dma_wait3A_132 = arith.constant 0 : i32
    %dma_wait3A_133 = tpu.memref_slice %arg4[%add3A_125, %dma_wait3A_132] : memref<819200x128xf32, #tpu.memory_space<hbm>> -> memref<128x128xf32, #tpu.memory_space<hbm>>
    %dma_wait3A_134 = tpu.memref_slice %arg8[%dma_wait3A_127] : memref<4x!tpu.dma_semaphore, #tpu.memory_space<semaphore_mem>> -> memref<1x!tpu.dma_semaphore, #tpu.memory_space<semaphore_mem>>
    %dma_wait3A_135 = tpu.memref_squeeze %dma_wait3A_134 : memref<1x!tpu.dma_semaphore, #tpu.memory_space<semaphore_mem>> -> memref<!tpu.dma_semaphore, #tpu.memory_space<semaphore_mem>>
    %dma_wait3A_136 = arith.constant 0 : i32
    %dma_wait3A_137 = tpu.memref_slice %arg4[%add3A_125, %dma_wait3A_136] : memref<819200x128xf32, #tpu.memory_space<hbm>> -> memref<128x128xf32, #tpu.memory_space<hbm>>
    %dma_wait3A_138 = arith.constant 0 : i32
    %dma_wait3A_139 = arith.constant 0 : i32
    %dma_wait3A_140 = tpu.memref_slice %arg6[%dma_wait3A_126, %dma_wait3A_138, %dma_wait3A_139] : memref<4x128x128xf32, #tpu.memory_space<vmem>> -> memref<1x128x128xf32, #tpu.memory_space<vmem>>
    %dma_wait3A_141 = tpu.memref_squeeze %dma_wait3A_140 : memref<1x128x128xf32, #tpu.memory_space<vmem>> -> memref<128x128xf32, #tpu.memory_space<vmem>>
    tpu.wait_dma2 semaphore(%dma_wait3A_135 : memref<!tpu.dma_semaphore, #tpu.memory_space<semaphore_mem>>) src(%dma_wait3A_141 : memref<128x128xf32, #tpu.memory_space<vmem>>) dst(%dma_wait3A_137 : memref<128x128xf32, #tpu.memory_space<hbm>>)
    %add3A_142 = arith.constant 25472 : i32
    %add3A_143 = arith.addi %mul3A_2, %add3A_142 : i32
    %dma_wait3A_144 = arith.constant 3 : i32
    %dma_wait3A_145 = arith.constant 3 : i32
    %dma_wait3A_146 = arith.constant 0 : i32
    %dma_wait3A_147 = arith.constant 0 : i32
    %dma_wait3A_148 = tpu.memref_slice %arg6[%dma_wait3A_144, %dma_wait3A_146, %dma_wait3A_147] : memref<4x128x128xf32, #tpu.memory_space<vmem>> -> memref<1x128x128xf32, #tpu.memory_space<vmem>>
    %dma_wait3A_149 = tpu.memref_squeeze %dma_wait3A_148 : memref<1x128x128xf32, #tpu.memory_space<vmem>> -> memref<128x128xf32, #tpu.memory_space<vmem>>
    %dma_wait3A_150 = arith.constant 0 : i32
    %dma_wait3A_151 = tpu.memref_slice %arg4[%add3A_143, %dma_wait3A_150] : memref<819200x128xf32, #tpu.memory_space<hbm>> -> memref<128x128xf32, #tpu.memory_space<hbm>>
    %dma_wait3A_152 = tpu.memref_slice %arg8[%dma_wait3A_145] : memref<4x!tpu.dma_semaphore, #tpu.memory_space<semaphore_mem>> -> memref<1x!tpu.dma_semaphore, #tpu.memory_space<semaphore_mem>>
    %dma_wait3A_153 = tpu.memref_squeeze %dma_wait3A_152 : memref<1x!tpu.dma_semaphore, #tpu.memory_space<semaphore_mem>> -> memref<!tpu.dma_semaphore, #tpu.memory_space<semaphore_mem>>
    %dma_wait3A_154 = arith.constant 0 : i32
    %dma_wait3A_155 = tpu.memref_slice %arg4[%add3A_143, %dma_wait3A_154] : memref<819200x128xf32, #tpu.memory_space<hbm>> -> memref<128x128xf32, #tpu.memory_space<hbm>>
    %dma_wait3A_156 = arith.constant 0 : i32
    %dma_wait3A_157 = arith.constant 0 : i32
    %dma_wait3A_158 = tpu.memref_slice %arg6[%dma_wait3A_144, %dma_wait3A_156, %dma_wait3A_157] : memref<4x128x128xf32, #tpu.memory_space<vmem>> -> memref<1x128x128xf32, #tpu.memory_space<vmem>>
    %dma_wait3A_159 = tpu.memref_squeeze %dma_wait3A_158 : memref<1x128x128xf32, #tpu.memory_space<vmem>> -> memref<128x128xf32, #tpu.memory_space<vmem>>
    tpu.wait_dma2 semaphore(%dma_wait3A_153 : memref<!tpu.dma_semaphore, #tpu.memory_space<semaphore_mem>>) src(%dma_wait3A_159 : memref<128x128xf32, #tpu.memory_space<vmem>>) dst(%dma_wait3A_155 : memref<128x128xf32, #tpu.memory_space<hbm>>)
    return
  }
}

module attributes {stable_mosaic.version = 14 : i64} {
  func.func @_fuse_body(%arg0: i32, %arg1: memref<512x2xi32, #tpu.memory_space<vmem>>, %arg2: memref<922x128xf32, #tpu.memory_space<vmem>>, %arg3: memref<512x128xf32, #tpu.memory_space<vmem>>) attributes {dimension_semantics = [#tpu.dimension_semantics<arbitrary>], iteration_bounds = array<i64: 12>, scalar_prefetch = 0 : i64, scratch_operands = 0 : i64, tpu.core_type = #tpu.core_type<tc>, window_params = [{transform_indices = @transform_0, window_bounds = array<i64: 512, 2>}, {pipeline_mode = #tpu.pipeline_mode<synchronous>, transform_indices = @transform_1, window_bounds = array<i64: 922, 128>}, {transform_indices = @transform_2, window_bounds = array<i64: 512, 128>}]} {
    %get3A = arith.constant 0 : index
    %get3A_0 = arith.constant 0 : index
    %get3A_1 = vector.load %arg2[%get3A, %get3A_0] : memref<922x128xf32, #tpu.memory_space<vmem>>, vector<922x128xf32>
    %mul3A = arith.mulf %get3A_1, %get3A_1 : vector<922x128xf32>
    %reduce_sum3A = arith.constant dense<0.000000e+00> : vector<922xf32>
    %reduce_sum3A_2 = vector.multi_reduction <add>, %mul3A, %reduce_sum3A [1] : vector<922x128xf32> to vector<922xf32>
    %broadcast_in_dim3A = vector.shape_cast %reduce_sum3A_2 : vector<922xf32> to vector<922x1xf32>
    %sqrt3A = math.sqrt %broadcast_in_dim3A : vector<922x1xf32>
    %gt3A = arith.constant 1.000000e+00 : f32
    %gt3A_3 = vector.broadcast %gt3A : f32 to vector<922x1xf32>
    %gt3A_4 = arith.cmpf ogt, %sqrt3A, %gt3A_3 : vector<922x1xf32>
    %add3A = arith.constant 1.000000e-07 : f32
    %add3A_5 = vector.broadcast %add3A : f32 to vector<922x1xf32>
    %add3A_6 = arith.addf %sqrt3A, %add3A_5 : vector<922x1xf32>
    %div3A = arith.constant 1.000000e+00 : f32
    %div3A_7 = vector.broadcast %div3A : f32 to vector<922x1xf32>
    %div3A_8 = arith.divf %div3A_7, %add3A_6 : vector<922x1xf32>
    %jit3A = arith.constant 1.000000e+00 : f32
    %broadcast_in_dim3A_9 = vector.broadcast %jit3A : f32 to vector<922x1xf32>
    %select_n3A = arith.select %gt3A_4, %div3A_8, %broadcast_in_dim3A_9 : vector<922x1xi1>, vector<922x1xf32>
    %mul3A_10 = vector.broadcast %select_n3A : vector<922x1xf32> to vector<922x128xf32>
    %mul3A_11 = arith.mulf %get3A_1, %mul3A_10 : vector<922x128xf32>
    %get3A_12 = arith.constant 0 : index
    %get3A_13 = arith.constant 0 : index
    %get3A_14 = vector.load %arg1[%get3A_12, %get3A_13] : memref<512x2xi32, #tpu.memory_space<vmem>>, vector<512x2xi32>
    %slice3A = vector.extract_strided_slice %get3A_14 {offsets = [0, 0], sizes = [512, 1], strides = [1, 1]} : vector<512x2xi32> to vector<512x1xi32>
    %slice3A_15 = vector.extract_strided_slice %get3A_14 {offsets = [0, 1], sizes = [512, 1], strides = [1, 1]} : vector<512x2xi32> to vector<512x1xi32>
    %iota3A = tpu.iota {dimensions = array<i32: 1>} : vector<512x922xi32>
    %eq3A = vector.broadcast %slice3A_15 : vector<512x1xi32> to vector<512x922xi32>
    %eq3A_16 = arith.cmpi eq, %iota3A, %eq3A : vector<512x922xi32>
    %convert_element_type3A = arith.extui %eq3A_16 : vector<512x922xi1> to vector<512x922xi32>
    %convert_element_type3A_17 = arith.sitofp %convert_element_type3A : vector<512x922xi32> to vector<512x922xf32>
    %add3A_18 = arith.constant 908 : i32
    %add3A_19 = vector.broadcast %add3A_18 : i32 to vector<512x1xi32>
    %add3A_20 = arith.addi %slice3A, %add3A_19 : vector<512x1xi32>
    %eq3A_21 = vector.broadcast %add3A_20 : vector<512x1xi32> to vector<512x922xi32>
    %eq3A_22 = arith.cmpi eq, %iota3A, %eq3A_21 : vector<512x922xi32>
    %convert_element_type3A_23 = arith.extui %eq3A_22 : vector<512x922xi1> to vector<512x922xi32>
    %convert_element_type3A_24 = arith.sitofp %convert_element_type3A_23 : vector<512x922xi32> to vector<512x922xf32>
    %add3A_25 = arith.addf %convert_element_type3A_17, %convert_element_type3A_24 : vector<512x922xf32>
    %dot_general3A = arith.constant dense<0.000000e+00> : vector<512x128xf32>
    %dot_general3A_26 = tpu.matmul %add3A_25, %mul3A_11, %dot_general3A {dimension_numbers = #tpu.dot_dimension_numbers<[1], [0], [0], [1], [0, 0, 1, 1], [], []>, transpose_lhs_hint = false} : vector<512x922xf32>, vector<922x128xf32>, vector<512x128xf32> -> vector<512x128xf32>
    %swap3A = arith.constant 0 : index
    %swap3A_27 = arith.constant 0 : index
    %swap3A_28 = vector.load %arg3[%swap3A, %swap3A_27] : memref<512x128xf32, #tpu.memory_space<vmem>>, vector<512x128xf32>
    tpu.vector_store %arg3[%swap3A, %swap3A_27], %dot_general3A_26 {strides = array<i32>} : memref<512x128xf32, #tpu.memory_space<vmem>>, vector<512x128xf32>,
    return
  }
  func.func @transform_0(%arg0: i32) -> (i32, i32) {
    %c0_i32 = arith.constant 0 : i32
    %c0_i32_0 = arith.constant 0 : i32
    return %arg0, %c0_i32 : i32, i32
  }
  func.func @transform_1(%arg0: i32) -> (i32, i32) {
    %c0_i32 = arith.constant 0 : i32
    %c0_i32_0 = arith.constant 0 : i32
    %c0_i32_1 = arith.constant 0 : i32
    return %c0_i32, %c0_i32_0 : i32, i32
  }
  func.func @transform_2(%arg0: i32) -> (i32, i32) {
    %c0_i32 = arith.constant 0 : i32
    %c0_i32_0 = arith.constant 0 : i32
    return %arg0, %c0_i32 : i32, i32
  }
}

</mosaic_0001>

<sc_bundles>
// kernel: kernel.4.cloned.1.call-start
scs
__scs_entry_jumppad:
0x0: {  	(pc) =	sbr.rel $0x88, $3  }
0x1: {  	(tag) =	ssettag $0x0;
	lr =	simm.s32 $0x1  }
0x2: {  	[smem:$0x3F9D] =	sst lr;
	_ =	strace $0xD0000000  }
0x3: {  	_ = 	snop  }
0x4: {  	_ = 	snop  }
0x5: {  	_ = 	snop  }
0x6: {  	_ = 	snop  }
0x7: {  	_ = 	snop  }
__scs_overlays_trampoline_lowered:
0x8: {  	[smem:$0x3FAC] =	sst s0  }
0x9: {  	[smem:$0x3FAD] =	sst s1  }
0xa: {  	[smem:$0x3FAE] =	sst s2  }
0xb: {  	[smem:$0x3FAF] =	sst s3  }
0xc: {  	[smem:$0x3FB0] =	sst s4  }
0xd: {  	[smem:$0x3FB1] =	sst s5  }
0xe: {  	[smem:$0x3FB2] =	sst s6  }
0xf: {  	[smem:$0x3FB3] =	sst s7  }
0x10: {  	[smem:$0x3FB4] =	sst s8  }
0x11: {  	[smem:$0x3FB5] =	sst s9;
	s0 =	simm.s32 @!p0 $0x0  }
0x12: {  	s1 =	sld [smem:$0x3F9B];
	s0 =	simm.s32 @p0 $0x1  }
0x13: {  	[smem:$0x3FB6] =	sst s0;
	s0 =	simm.s32 @!p1 $0x0  }
0x14: {  	s2 =	sld [smem:$0x3F9A];
	s0 =	simm.s32 @p1 $0x1  }
0x15: {  	[smem:$0x3FB7] =	sst s0;
	s0 =	simm.s32 @!p2 $0x0  }
0x16: {  	s3 =	sld [smem:$0x3FDB];
	s0 =	simm.s32 @p2 $0x1  }
0x17: {  	s4 =	simm.s32 $0x1BF5;
	[smem:$0x3FB9] =	sst s0  }
0x18: {  	s0 =	sld [smem:$0x3F9C];
	_ =	swait.ge [sflag:s4], $0x0  }
0x19: {  	s7 =	sld [smem:$0x3F9D]  }
0x1a: {  	s8 =	sadd.s32 $0xFFFFE003, lr  }
0x1b: {  	s9 =	sadd.s32 $0xFFFFFEF7, lr;
	s5 =	simm.s32 $0xFFFFFFFF;
	p2 =	slt.u32 s8, $0xFFFFF086  }
0x1c: {  	p1 =	slt.u32 s9, $0xF7A;
	s5 =	simm.s32 @!p2 $0x0  }
0x1d: {  	s5 =	simm.s32 @p1 $0x1;
	p0 =	seq.s32 s7, s2  }
0x1e: {  	s7 =	smul.u32 @!p0 $0xF7A, s2;
	p2 =	seq.s32 @!p0 s5, $0x0  }
0x1f: {  	s9 =	smul.u32 $0xF7A, s1;
	s8 =	simm.s32 @!p0 $0x1BF5;
	p2 =	por !p2, p0  }
0x20: {  	[sflag:s8] =	ssyncset.s32 @!p0 $0xFFFFF086;
	s6 =	sadd.s32 @!p0 s3, s7;
	s7 =	simm.s32 @!p0 $0x108  }
0x21: {  	s3 =	sadd.s32 s3, s9;
	s6 =	sadd.s32 @!p0 $0x88, s6;
	s7 =	simm.s32 @p2 $0x1082  }
0x22: {  	[simem:s7], [sflag:s8] =	dma.local @!p0 [hbm:s6], $0xF7A  }
0x23: {  	s9 =	sor.u32 $0xD0000000, s2;
	s6 =	simm.s32 $0x108;
	_ =	swait.ge @!p0 [sflag:s8], $0x0  }
0x24: {  	s3 =	sadd.s32 $0x88, s3;
	s6 =	simm.s32 @!p1 $0x1082;
	[sflag:s4] =	ssyncset.s32 $0xFFFFF086  }
0x25: {  	[simem:s6], [sflag:s4] =	dma.local [hbm:s3], $0xF7A  }
0x26: {  	[smem:$0x3F9D] =	sst s1;
	(tag) =	ssettag s2;
	_ =	strace s9  }
0x27: {  	s1 =	sld [smem:$0x3FAD]  }
0x28: {  	s2 =	sld [smem:$0x3FAE]  }
0x29: {  	s4 =	sld [smem:$0x3FB0]  }
0x2a: {  	p0 =	seq.s32 s5, $0x0;
	s5 =	sld [smem:$0x3FB1]  }
0x2b: {  	s6 =	sld [smem:$0x3FB2]  }
0x2c: {  	s7 =	sld [smem:$0x3FB3]  }
0x2d: {  	s3 =	simm.s32 $0x108;
	s8 =	sld [smem:$0x3FB4]  }
0x2e: {  	s3 =	simm.s32 @!p0 $0x1082;
	s9 =	sld [smem:$0x3FB5]  }
0x2f: {  	lr =	sadd.s32 s0, s3;
	s0 =	sld [smem:$0x3FAC]  }
0x30: {  	s3 =	sld [smem:$0x3FAF]  }
0x31: {  	[smem:$0x3FB8] =	sst s10  }
0x32: {  	s10 =	sld [smem:$0x3FB6];
	_ =	sdelay $0x3  }
0x33: {  	p0 =	seq.s32 s10, $0x1;
	s10 =	sld [smem:$0x3FB8];
	_ =	sdelay $0x3  }
0x34: {  	[smem:$0x3FB8] =	sst s10  }
0x35: {  	s10 =	sld [smem:$0x3FB7];
	_ =	sdelay $0x3  }
0x36: {  	p1 =	seq.s32 s10, $0x1;
	s10 =	sld [smem:$0x3FB8];
	_ =	sdelay $0x3  }
0x37: {  	[smem:$0x3FB8] =	sst s10  }
0x38: {  	s10 =	sld [smem:$0x3FB9]  }
0x39: {  	_ = 	snop;
	(pc) =	sbr.ind lr, $3  }
0x3a: {  	_ = 	snop  }
0x3b: {  	_ = 	snop  }
0x3c: {  	p2 =	seq.s32 s10, $0x1;
	s10 =	sld [smem:$0x3FB8]  }
0x3d: {  	_ =	shalt  }
0x3e: {  	_ =	shalt  }
0x3f: {  	_ =	shalt  }
0x40: {  	_ =	shalt  }
0x41: {  	_ =	shalt  }
0x42: {  	_ =	shalt  }
0x43: {  	_ =	shalt  }
0x44: {  	_ =	shalt  }
0x45: {  	_ =	shalt  }
0x46: {  	_ =	shalt  }
0x47: {  	_ =	shalt  }
0x48: {  	_ =	shalt  }
0x49: {  	_ =	shalt  }
0x4a: {  	_ =	shalt  }
0x4b: {  	_ =	shalt  }
0x4c: {  	_ =	shalt  }
0x4d: {  	_ =	shalt  }
0x4e: {  	_ =	shalt  }
0x4f: {  	_ =	shalt  }
0x50: {  	_ =	shalt  }
0x51: {  	_ =	shalt  }
0x52: {  	_ =	shalt  }
0x53: {  	_ =	shalt  }
0x54: {  	_ =	shalt  }
0x55: {  	_ =	shalt  }
0x56: {  	_ =	shalt  }
0x57: {  	_ =	shalt  }
0x58: {  	_ =	shalt  }
0x59: {  	_ =	shalt  }
0x5a: {  	_ =	shalt  }
0x5b: {  	_ =	shalt  }
0x5c: {  	_ =	shalt  }
0x5d: {  	_ =	shalt  }
0x5e: {  	_ =	shalt  }
0x5f: {  	_ =	shalt  }
0x60: {  	_ =	shalt  }
0x61: {  	_ =	shalt  }
0x62: {  	_ =	shalt  }
0x63: {  	_ =	shalt  }
0x64: {  	_ =	shalt  }
0x65: {  	_ =	shalt  }
0x66: {  	_ =	shalt  }
0x67: {  	_ =	shalt  }
0x68: {  	_ =	shalt  }
0x69: {  	_ =	shalt  }
0x6a: {  	_ =	shalt  }
0x6b: {  	_ =	shalt  }
0x6c: {  	_ =	shalt  }
0x6d: {  	_ =	shalt  }
0x6e: {  	_ =	shalt  }
0x6f: {  	_ =	shalt  }
0x70: {  	_ =	shalt  }
0x71: {  	_ =	shalt  }
0x72: {  	_ =	shalt  }
0x73: {  	_ =	shalt  }
0x74: {  	_ =	shalt  }
0x75: {  	_ =	shalt  }
0x76: {  	_ =	shalt  }
0x77: {  	_ =	shalt  }
0x78: {  	_ =	shalt  }
0x79: {  	_ =	shalt  }
0x7a: {  	_ =	shalt  }
0x7b: {  	_ =	shalt  }
0x7c: {  	_ =	shalt  }
0x7d: {  	_ =	shalt  }
0x7e: {  	_ =	shalt  }
0x7f: {  	_ =	shalt  }
0x80: {  	_ =	shalt  }
0x81: {  	_ =	shalt  }
0x82: {  	_ =	shalt  }
0x83: {  	_ =	shalt  }
0x84: {  	_ =	shalt  }
0x85: {  	_ =	shalt  }
0x86: {  	_ =	shalt  }
0x87: {  	_ =	shalt  }
.Lfunc_end0:
.L_simem_size_0:
called_computation_lowered:
.L_overlay_start_0:
0x88: {  	s2 =	sld [smem:$0x3FD9]  }
0x89: {  	s3 =	sld [smem:$0x3FFE];
	_ =	sdelay $0x1  }
0x8a: {  	s1 =	srdreg.scid  }
0x8b: {  	s0 =	sand.u32 $0x1, s1  }
0x8c: {  	s17 =	sshll.u32 s0, $0xA;
	s2 =	sadd.s32 s3, s2  }
0x8d: {  	s2 =	sadd.s32 s2, s17  }
0x8e: {  	[smem:$0x3FC4] =	sst s2  }
0x8f: {  	_ = 	snop  }
0x90: {  	s2 =	sld [smem:$0x3FD0];
	(tm) =	ssettm $0x1  }
0x91: {  	s18 =	sld [smem:$0x3FFB];
	_ =	sdelay $0x3  }
0x92: {  	_ =	strace s18  }
0x93: {  	s3 =	sld [smem:$0x3FFC];
	_ =	sdelay $0x3  }
0x94: {  	_ =	strace s3  }
0x95: {  	s3 =	sld [smem:$0x3FFD];
	_ =	sdelay $0x3  }
0x96: {  	_ =	strace s3  }
0x97: {  	_ =	strace $0x8FFFFFFF  }
0x98: {  	s19 =	sld [smem:$0x3FDB];
	_ =	sdelay $0x1  }
0x99: {  	s4 =	simm.s32 $_scs_section_size  }
0x9a: {  	s5 =	simm.s32 $_size__tile_overlayer_lowered;
	s6 =	simm.s32 $_tile_overlayer_lowered  }
0x9b: {  	s22 =	simm.s32 $0x1BFF;
	s21 =	sshll.u32 s6, $0x1;
	s3 =	sadd.s32 s4, s19  }
0x9c: {  	s7 =	simm.s32 $0x0;
	s20 =	sshll.u32 s5, $0x1;
	s5 =	sadd.s32 s21, s3  }
0x9d: {  	[timem:s7], [sflag:s22] =	dma.local [hbm:s5], s20  }
0x9e: {  	_ =	swait.ge [sflag:s22], s20  }
0x9f: {  	s4 =	ssub.s32 $0x0, s20;
	[sflag:s22] =	ssyncset.done $0x0  }
0xa0: {  	[sflag:s22] =	ssyncadd.s32 s4;
	_ =	sdelay $0x1  }
0xa1: {  	s23 =	simm.s32 $0x1B8B  }
0xa2: {  	_ =	swait.ge [sflag:s23], $0x1  }
0xa3: {  	[sflag:s23] =	ssyncset.done $0x0  }
0xa4: {  	s25 =	simm.s32 $0x1B8E;
	s24 =	sld [smem:$0x3FFE];
	[sflag:s23] =	ssyncadd.s32 $0xFFFFFFFF  }
0xa5: {  	s26 =	simm.s32 $execute0_lowered;
	[smem:$0x3FD2] =	sst s25  }
0xa6: {  	s5 =	sshll.u32 s26, $0x1;
	_ =	strace $0x80000046;
	[dreg:$0x1] =	wrdreg $0xFFFFFFFF  }
0xa7: {  	s28 =	simm.s32 $_size_execute0_lowered;
	s3 =	sadd.s32 s3, s5;
	[dreg:$0x0] =	wrdreg $0x0  }
0xa8: {  	s5 =	sshll.u32 s28, $0x1;
	[dreg:$0x2] =	wrdreg s3  }
0xa9: {  	[dreg:$0x3] =	wrdreg s5  }
0xaa: {  	[dreg:$0x4] =	wrdreg $0xC0  }
0xab: {  	_ =	task [dreg:s7], $0x5FFFF  }
0xac: {  	[dreg:$0x1] =	wrdreg $0xFFFFFFFF  }
0xad: {  	[dreg:$0x0] =	wrdreg $0x60  }
0xae: {  	[dreg:$0x2] =	wrdreg s24  }
0xaf: {  	[dreg:$0x3] =	wrdreg s2  }
0xb0: {  	[dreg:$0x4] =	wrdreg $0x102000  }
0xb1: {  	[dreg:$0x5] =	wrdreg $0x9  }
0xb2: {  	_ =	task.clear_ibuf [dreg:s7], $0x6FFFF;
	_ =	strace $0x90000046  }
0xb3: {  	s29 =	simm.s32 $0x9;
	_ =	strace $0x80000048  }
0xb4: {  	_ =	swait.ge [sflag:s29], $0x1  }
0xb5: {  	[sflag:s29] =	ssyncadd.s32 $0xFFFFFFFF  }
0xb6: {  	_ =	strace $0x90000048  }
0xb7: {  	_ =	sfence  }
0xb8: {  	s30 =	sld [smem:$0x0];
	_ =	sdelay $0x2  }
0xb9: {  	s31 =	sshll.u32 s1, $0xD;
	s1 =	sshrl.u32 s1, $0x2  }
0xba: {  	s3 =	sand.u32 $0x4000, s31;
	s1 =	sadd.s32 s1, s30  }
0xbb: {  	s0 =	sor.u32 s3, s0;
	s1 =	sshll.u32 s1, $0x11  }
0xbc: {  	s0 =	sor.u32 s1, s0  }
0xbd: {  	s0 =	sadd.s32 $0x8F2B, s0  }
0xbe: {  	[sflag:s0] =	ssyncadd.remote.s32 $0x1  }
0xbf: {  	_ =	sfence.sel $0xFFFF  }
0xc0: {  	[dreg:$0x0] =	wrdreg $0xFFFFFFFF;
	(pc) =	sbr.abs _section_cstart, $3  }
0xc1: {  	[dreg:$0x1] =	wrdreg $0xFFFFFFFF  }
0xc2: {  	_ =	task.clear_ibuf [dreg:s7], $0x2FFFF;
	_ =	strace $0x9FFFFFFF  }
0xc3: {  	(tm) =	ssettm $0x7FFFFFFF  }
tec
execute0_lowered:
.L_overlay_start_1:
0x0: {  	(tag) =	ssettag $0x1  }
0x1: {  	s0 =	rddreg [dreg:$0x0]  }
0x2: {  	s2 =	rddreg [dreg:$0x1]  }
0x3: {  	s1 =	rddreg [dreg:$0x2]  }
0x4: {  	s3 =	simm.s32 $0x0;
	s11 =	stileid.u32;
	s4 =	srdreg.scid  }
0x5: {  	s28 =	simm.s32 $0x4200;
	s29 =	simm.s32 $0x1;
	s5 =	smul.u32 $0x1800, s11  }
0x6: {  	s30 =	simm.s32 $0xB;
	s31 =	simm.s32 $0x8200;
	s8 =	smul.u32 $0x30000, s11  }
0x7: {  	[smem:$0x7FF] =	sst s3;
	s4 =	sand.u32 $0x1, s4;
	s24 =	smul.u32 $0xC800, s11  }
0x8: {  	s6 =	sshll.u32 s11, $0x1;
	s9 =	sadd.s32 $0xA00, s0;
	s18 =	smul.u32 $0x640000, s11  }
0x9: {  	s25 =	sshll.u32 s11, $0x6;
	_ =	strace $0x80000047;
	s26 =	smul.u32 $0x6400, s4  }
0xa: {  	s7 =	ssub.s32 $0x2, s4;
	s6 =	sor.u32 s4, s6;
	s4 =	smul.u32 $0x320000, s4  }
0xb: {  	s13 =	sor.u32 $0x1C0D, s25;
	s10 =	sshrl.u32 s7, $0x1;
	s6 =	smul.u32 $0x6400, s6  }
0xc: {  	s0 =	sadd.s32 s5, s0;
	s23 =	sshrl.u32 s8, $0x2;
	[dreg:$0x6] =	wrdreg s13  }
0xd: {  	s22 =	ssub.s32 s7, s10;
	s7 =	sadd.s32 s23, s1;
	s0 =	sadd.s32 $0x19A00, s0  }
0xe: {  	s17 =	sadd.s32 s26, s24;
	s4 =	sadd.s32 s4, s18;
	s6 =	sshrl.u32 s6, $0x3  }
0xf: {  	[dreg:$0x5] =	wrdreg s0;
	s8 =	sor.u32 $0x300, s17;
	s5 =	smax.u32 s22, $0x1  }
0x10: {  	s19 =	sor.u32 $0x280, s17;
	s0 =	sor.u32 $0x200, s17;
	s20 =	sor.u32 $0xC000, s4  }
0x11: {  	s22 =	sor.u32 $0x8000, s4;
	s23 =	sor.u32 $0x4000, s4;
	s4 =	sshrl.u32 s4, $0x3  }
0x12: {  	s26 =	sshrl.u32 s7, $0x3;
	s7 =	simm.s32 $0x4;
	s12 =	sadd.s32 s9, s6  }
0x13: {  	s6 =	sor.u32 $0x380, s17;
	s8 =	sshrl.u32 s8, $0x3;
	[dreg:$0xa] =	wrdreg s5  }
0x14: {  	s5 =	sshrl.u32 s19, $0x3;
	s0 =	sshrl.u32 s0, $0x3;
	s21 =	sshrl.u32 s20, $0x3  }
0x15: {  	s25 =	sadd.s32 s4, s2;
	[dreg:$0xf] =	wrdreg s26;
	s26 =	simm.s32 $0xA  }
0x16: {  	s4 =	simm.s32 $0x0;
	s14 =	sadd.s32 $0x10, s12;
	s15 =	sadd.s32 $0x20, s12  }
0x17: {  	[dreg:$0x4] =	wrdreg s12;
	s16 =	sadd.s32 $0x30, s12;
	s6 =	sshrl.u32 s6, $0x3  }
0x18: {  	s12 =	sadd.s32 s8, s9;
	s13 =	sadd.s32 s5, s9;
	[dreg:$0xe] =	wrdreg s25  }
0x19: {  	s5 =	sshrl.u32 s23, $0x3;
	s23 =	simm.s32 $0x180;
	[dreg:$0x7] =	wrdreg s14  }
0x1a: {  	s25 =	simm.s32 $0x200;
	s8 =	simm.s32 $0x6;
	[dreg:$0x8] =	wrdreg s15  }
0x1b: {  	[dreg:$0x9] =	wrdreg s16;
	s11 =	sadd.s32 s6, s9;
	s14 =	sadd.s32 s0, s9  }
.Ltmp0:
0x1c: {  	s0 =	sadd.s32 s21, s2;
	s24 =	sadd.s32 s5, s2;
	(pc) =	sbr.rel .LBB2_1-.Ltmp0, $4  }
0x1d: {  	s21 =	simm.s32 $0x80;
	s5 =	simm.s32 $0xC200;
	s6 =	simm.s32 $0x3  }
0x1e: {  	s9 =	simm.s32 $0x7;
	[dreg:$0xb] =	wrdreg s0;
	s0 =	sshrl.u32 s22, $0x3  }
0x1f: {  	[dreg:$0xd] =	wrdreg s24;
	s22 =	simm.s32 $0x100;
	s0 =	sadd.s32 s0, s2  }
0x20: {  	s2 =	simm.s32 $0xC;
	[dreg:$0xc] =	wrdreg s0;
	s0 =	simm.s32 $0x2  }
.LBB2_7:
0x21: {  	_ =	swait.ge [sflag:s8], $0x4000  }
0x22: {  	[sflag:s8] =	ssyncset.done $0x0  }
0x23: {  	[sflag:s8] =	ssyncadd.s32 $0xFFFFC000  }
0x24: {  	_ =	swait.ge [sflag:s9], $0x4000  }
0x25: {  	[sflag:s9] =	ssyncset.done $0x0  }
0x26: {  	s15 =	simm.s32 $0x8;
	[sflag:s9] =	ssyncadd.s32 $0xFFFFC000  }
0x27: {  	_ =	swait.ge [sflag:s15], $0x4000  }
0x28: {  	s4 =	sadd.s32 $0x1, s4;
	s10 =	rddreg [dreg:$0xa]  }
0x29: {  	p0 =	sne.s32 s4, s10  }
.Ltmp1:
0x2a: {  	_ = 	snop;
	(pc) =	sbr.rel @!p0 .LBB2_8-.Ltmp1, $3  }
0x2b: {  	_ =	sdelay $0x1  }
0x2c: {  	[sflag:s15] =	ssyncset.done $0x0  }
0x2d: {  	[sflag:s15] =	ssyncadd.s32 $0xFFFFC000  }
.LBB2_1:
0x2e: {  	s10 =	rddreg [dreg:$0x5]  }
0x2f: {  	s15 =	rddreg [dreg:$0x6]  }
0x30: {  	s16 =	rddreg [dreg:$0xf]  }
0x31: {  	[spmem:s16], [sflag:s15] =	dma.local [hbm:s10], $0x1800  }
0x32: {  	s16 =	simm.s32 $0xD  }
0x33: {  	_ =	swait.ge [sflag:s16], $0x1800  }
0x34: {  	[sflag:s16] =	ssyncset.done $0x0  }
0x35: {  	[sflag:s16] =	ssyncadd.s32 $0xFFFFE800  }
0x36: {  	[bflag:$0x0] =	sbarrier.arrive $0xFFFF  }
0x37: {  	s17 =	rddreg [dreg:$0x4]  }
0x38: {  	[tilespmem:s3], [sflag:$0x9] =	stream.linear.gather [hbm4b:s17+s3], $0x80, $0x38;
	[tilespmem:$0x1C200] =	vst v63  }
0x39: {  	s18 =	rddreg [dreg:$0x7]  }
0x3a: {  	[tilespmem:s21], [sflag:$0xA] =	stream.linear.gather [hbm4b:s18+s3], $0x80, $0x38;
	[tilespmem:$0x1C200] =	vst v63  }
0x3b: {  	s19 =	rddreg [dreg:$0x8]  }
0x3c: {  	[tilespmem:s22], [sflag:$0xB] =	stream.linear.gather [hbm4b:s19+s3], $0x80, $0x38;
	[tilespmem:$0x1C200] =	vst v63  }
0x3d: {  	s24 =	simm.s32 $0x9;
	s20 =	rddreg [dreg:$0x9]  }
0x3e: {  	[tilespmem:s23], [sflag:$0xC] =	stream.linear.gather [hbm4b:s20+s3], $0x80, $0x38;
	[tilespmem:$0x1C200] =	vst v63  }
0x3f: {  	_ =	swait.ge [sflag:s24], $0x80  }
0x40: {  	[sflag:s24] =	ssyncset.done $0x0  }
0x41: {  	[sflag:s24] =	ssyncadd.s32 $0xFFFFFF80  }
0x42: {  	[tilespmem:s25], [sflag:$0x1] =	stream.indirect.gather [spmem:s1], $0x80, s3, s21, $0xb8;
	[tilespmem:$0x1C200] =	vst v63  }
0x43: {  	_ =	swait.ge [sflag:s26], $0x80  }
0x44: {  	s18 =	rddreg [dreg:$0xe]  }
0x45: {  	s17 =	rddreg [dreg:$0xd]  }
0x46: {  	[sflag:s26] =	ssyncset.done $0x0;
	s16 =	rddreg [dreg:$0xc]  }
0x47: {  	s15 =	simm.s32 $0x0;
	s19 =	rddreg [dreg:$0xb];
	[sflag:s26] =	ssyncadd.s32 $0xFFFFFF80  }
0x48: {  	[tilespmem:s28], [sflag:$0x2] =	stream.indirect.gather [spmem:s1], $0x80, s21, s21, $0xb8;
	[tilespmem:$0x1C200] =	vst v63  }
.LBB2_2:
0x49: {  	p0 =	seq.s32 s15, $0xC40  }
0x4a: {  	p1 =	seq.s32 @!p0 s15, $0x0  }
0x4b: {  	_ =	swait.ge [sflag:s29], $0x4000;
	p1 =	por p0, !p1  }
.Ltmp2:
0x4c: {  	[sflag:s29] =	ssyncset.done $0x0;
	(pc) =	sbr.rel @!p1 .LBB2_3-.Ltmp2, $4  }
0x4d: {  	[sflag:s29] =	ssyncadd.s32 $0xFFFFC000  }
0x4e: {  	[hbm4b:s18+s3] =	stream.linear.scatter [tilespmem:s25], [sflag:$0x5], $0x4000, $0x38;
	[tilespmem:$0x1C200] =	vst v63  }
0x4f: {  	s24 =	sadd.s32 @!p0 s15, s14;
	s20 =	simm.s32 @!p0 $0x0  }
0x50: {  	[tilespmem:s20], [sflag:$0x9] =	stream.linear.gather @!p0 [hbm4b:s24+s20], $0x80, $0x38;
	[tilespmem:$0x1C200] =	vst v63  }
.Ltmp3:
0x51: {  	(pc) =	sbr.rel .LBB2_5-.Ltmp3, $4  }
0x52: {  	_ = 	snop  }
0x53: {  	_ =	swait.ge [sflag:s9], $0x4000  }
0x54: {  	[sflag:s9] =	ssyncset.done $0x0  }
0x55: {  	p1 =	por $0x0, $0x0;
	[sflag:s9] =	ssyncadd.s32 $0xFFFFC000  }
.LBB2_3:
0x56: {  	p1 =	por @!p0 $0x1, $0x1  }
.LBB2_5:
0x57: {  	_ =	swait.ge [sflag:s30], $0x80  }
0x58: {  	[sflag:s30] =	ssyncset.done $0x0  }
0x59: {  	[sflag:s30] =	ssyncadd.s32 $0xFFFFFF80  }
0x5a: {  	[tilespmem:s31], [sflag:$0x3] =	stream.indirect.gather [spmem:s1], $0x80, s22, s21, $0xb8;
	[tilespmem:$0x1C200] =	vst v63  }
0x5b: {  	_ =	swait.ge [sflag:s0], $0x4000  }
0x5c: {  	[sflag:s0] =	ssyncset.done $0x0  }
0x5d: {  	[sflag:s0] =	ssyncadd.s32 $0xFFFFC000  }
0x5e: {  	[hbm4b:s17+s3] =	stream.linear.scatter [tilespmem:s28], [sflag:$0x6], $0x4000, $0x38;
	[tilespmem:$0x1C200] =	vst v63  }
0x5f: {  	s24 =	sadd.s32 @!p0 s15, s13;
	s10 =	simm.s32 @!p0 $0x80  }
0x60: {  	[tilespmem:s10], [sflag:$0xA] =	stream.linear.gather @!p0 [hbm4b:s24+s20], $0x80, $0x38;
	[tilespmem:$0x1C200] =	vst v63  }
0x61: {  	s10 =	simm.s32 @!p1 $0x8  }
0x62: {  	_ =	swait.ge @!p1 [sflag:s10], $0x4000  }
0x63: {  	[sflag:s10] =	ssyncset.done @!p1 $0x0  }
0x64: {  	[sflag:s10] =	ssyncadd.s32 @!p1 $0xFFFFC000  }
0x65: {  	_ =	swait.ge [sflag:s2], $0x80  }
0x66: {  	[sflag:s2] =	ssyncset.done $0x0  }
0x67: {  	[sflag:s2] =	ssyncadd.s32 $0xFFFFFF80  }
0x68: {  	[tilespmem:s5], [sflag:$0x4] =	stream.indirect.gather [spmem:s1], $0x80, s23, s21, $0xb8;
	[tilespmem:$0x1C200] =	vst v63  }
0x69: {  	_ =	swait.ge [sflag:s6], $0x4000  }
0x6a: {  	[sflag:s6] =	ssyncset.done $0x0  }
0x6b: {  	p1 =	sne.s32 s15, $0xC40;
	[sflag:s6] =	ssyncadd.s32 $0xFFFFC000  }
0x6c: {  	[hbm4b:s16+s3] =	stream.linear.scatter [tilespmem:s31], [sflag:$0x7], $0x4000, $0x38;
	[tilespmem:$0x1C200] =	vst v63  }
0x6d: {  	s10 =	sadd.s32 @p1 s15, s12;
	s20 =	simm.s32 @p1 $0x0;
	s24 =	simm.s32 @p1 $0x100  }
0x6e: {  	[tilespmem:s24], [sflag:$0xB] =	stream.linear.gather @p1 [hbm4b:s10+s20], $0x80, $0x38;
	[tilespmem:$0x1C200] =	vst v63  }
0x6f: {  	s10 =	simm.s32 @p1 $0x5  }
0x70: {  	_ =	swait.ge @p1 [sflag:s10], $0x4000  }
0x71: {  	[sflag:s10] =	ssyncset.done @p1 $0x0  }
0x72: {  	[sflag:s10] =	ssyncadd.s32 @p1 $0xFFFFC000;
	s10 =	simm.s32 @p1 $0x9  }
0x73: {  	_ =	swait.ge @p1 [sflag:s10], $0x80  }
0x74: {  	[sflag:s10] =	ssyncset.done @p1 $0x0  }
0x75: {  	s24 =	simm.s32 @p1 $0x200;
	[sflag:s10] =	ssyncadd.s32 @p1 $0xFFFFFF80;
	s10 =	simm.s32 @p1 $0x80  }
0x76: {  	[tilespmem:s24], [sflag:$0x1] =	stream.indirect.gather @p1 [spmem:s1], $0x80, s20, s10, $0xb8;
	[tilespmem:$0x1C200] =	vst v63  }
0x77: {  	s10 =	simm.s32 @!p1 $0x5  }
0x78: {  	_ =	swait.ge @!p1 [sflag:s10], $0x4000  }
0x79: {  	[sflag:s10] =	ssyncset.done @!p1 $0x0  }
.Ltmp4:
0x7a: {  	[sflag:s10] =	ssyncadd.s32 @!p1 $0xFFFFC000;
	(pc) =	sbr.rel @p0 .LBB2_7-.Ltmp4, $4  }
0x7b: {  	_ =	swait.ge [sflag:s7], $0x4000  }
0x7c: {  	[sflag:s7] =	ssyncset.done $0x0  }
0x7d: {  	[sflag:s7] =	ssyncadd.s32 $0xFFFFC000  }
0x7e: {  	[hbm4b:s19+s3] =	stream.linear.scatter [tilespmem:s5], [sflag:$0x8], $0x4000, $0x38;
	[tilespmem:$0x1C200] =	vst v63  }
0x7f: {  	s10 =	sadd.s32 s15, s11  }
0x80: {  	[tilespmem:s23], [sflag:$0xC] =	stream.linear.gather [hbm4b:s10+s3], $0x80, $0x38;
	[tilespmem:$0x1C200] =	vst v63  }
0x81: {  	_ =	swait.ge [sflag:s8], $0x4000  }
0x82: {  	[sflag:s8] =	ssyncset.done $0x0  }
.Ltmp5:
0x83: {  	[sflag:s8] =	ssyncadd.s32 $0xFFFFC000;
	(pc) =	sbr.rel .LBB2_2-.Ltmp5, $4  }
0x84: {  	s15 =	sadd.s32 $0x40, s15;
	_ =	swait.ge [sflag:s26], $0x80  }
0x85: {  	s19 =	sadd.s32 $0x2000, s19;
	s16 =	sadd.s32 $0x2000, s16;
	[sflag:s26] =	ssyncset.done $0x0  }
0x86: {  	s17 =	sadd.s32 $0x2000, s17;
	s18 =	sadd.s32 $0x2000, s18;
	[sflag:s26] =	ssyncadd.s32 $0xFFFFFF80  }
0x87: {  	[tilespmem:s28], [sflag:$0x2] =	stream.indirect.gather [spmem:s1], $0x80, s21, s21, $0xb8;
	[tilespmem:$0x1C200] =	vst v63  }
.LBB2_8:
0x88: {  	_ =	sfence.sel $0x180000  }
0x89: {  	[bflag:$0x0] =	sbarrier.arrive $0xFFFF  }
0x8a: {  	_ =	strace $0x90000047  }
0x8b: {  	s0 =	stileid.u32;
	[bflag:$0x2] =	sbarrier.arrive $0xFFFF  }
0x8c: {  	p0 =	sne.s32 s0, $0x0;
	s0 =	rddreg [dreg:$0x3]  }
0x8d: {  	s0 =	sadd.s32 @!p0 $0x100000, s0  }
0x8e: {  	[sflag:s0] =	ssyncadd.tile.s32 @!p0 $0x1;
	_ =	shalt  }
.Lfunc_end2:
_tile_overlayer_lowered:
.L_overlay_start_2:
0x8f: {  	(tag) =	ssettag $0x2  }
0x90: {  	s0 =	rddreg [dreg:$0x0];
	s2 =	stileid.u32  }
0x91: {  	s1 =	rddreg [dreg:$0x1];
	p0 =	sne.s32 s2, $0x0  }
0x92: {  	s3 =	rddreg [dreg:$0x2];
	[bflag:$0x3] =	sbarrier.arrive $0xFFFF;
	s2 =	simm.s32 @!p0 $0x1C0D  }
0x93: {  	[timem:s3], [sflag:s2] =	dma.local @!p0 [hbm:s0], s1  }
0x94: {  	s0 =	simm.s32 @!p0 $0xD  }
0x95: {  	_ =	swait.ge @!p0 [sflag:s0], s1  }
0x96: {  	s1 =	ssub.s32 @!p0 $0x0, s1;
	[sflag:s0] =	ssyncset.done @!p0 $0x0  }
0x97: {  	[sflag:s0] =	ssyncadd.s32 @!p0 s1  }
0x98: {  	[bflag:$0x3] =	sbarrier.arrive $0xFFFF  }
0x99: {  	_ =	shalt  }

</sc_bundles>
